<compile_context>
chip_gen: v7x
topology: tpu7x:2x2x1
jax: 0.10.2.dev20260603
libtpu: 0.0.44.dev20260713+nightly
codegen_flags: <defaults>
</compile_context>

<pallas_src>
import functools

import jax
import jax.numpy as jnp
import numpy as np
from jax import lax
from jax.experimental import pallas as pl
from jax.experimental.pallas import tpu as pltpu
from jax.experimental.pallas import tpu_sc as plsc

_B, _C, _H, _W = 4, 384, 64, 64
_HW = _H * _W
_COUNTS = 1024
_K = 9
_NPLANE = 4 * _K
_OUT_PER_IMG = _COUNTS * _NPLANE
_NBLK = _HW // 128
_NCHUNK = _COUNTS // 128

_s_np, _r_np = np.meshgrid(np.array([32.0, 64.0, 128.0], np.float32),
                           np.array([0.5, 1.0, 2.0], np.float32))
_sf = _s_np.flatten().astype(np.float32)
_rf = _r_np.flatten().astype(np.float32)
_heights = (_sf / np.sqrt(_rf)).astype(np.float32)
_widths = (_sf * np.sqrt(_rf)).astype(np.float32)
_BH2 = [float(np.float32(0.5) * h) for h in _heights]
_BW2 = [float(np.float32(0.5) * w) for w in _widths]
_INV_NORM = 1.0 / 512.0


def _sel_body(x_ref, sel_ref):
    x = x_ref[0]
    m = jnp.mean(x, axis=1, keepdims=True)
    heat = jnp.sum(jnp.abs(x - m), axis=0, keepdims=True)
    hi = lax.bitcast_convert_type(heat, jnp.int32)

    def bit_step(i, pfx):
        trial = pfx | lax.shift_left(jnp.int32(1), jnp.int32(30) - i)
        cnt = jnp.sum((hi >= trial).astype(jnp.int32))
        return jnp.where(cnt >= _COUNTS, trial, pfx)

    pfx = lax.fori_loop(0, 31, bit_step, jnp.int32(0))
    thr = lax.bitcast_convert_type(pfx, jnp.float32)

    mask = (heat >= thr).astype(jnp.float32)

    r128 = lax.broadcasted_iota(jnp.int32, (128, 128), 0)
    c128 = lax.broadcasted_iota(jnp.int32, (128, 128), 1)
    ut128 = (r128 <= c128).astype(jnp.float32)
    parts = []
    run = jnp.zeros((1, 1), jnp.float32)
    for blk in range(_NBLK):
        mblk = mask[:, blk * 128:(blk + 1) * 128]
        pref = jnp.dot(mblk, ut128, preferred_element_type=jnp.float32)
        parts.append(pref + run)
        run = run + pref[:, 127:128]
    rank = jnp.concatenate(parts, axis=1)
    srank = rank * mask

    fi = lax.broadcasted_iota(jnp.int32, (_HW, 1), 0)
    hi_col = (fi // 64).astype(jnp.float32)
    lo_col = (fi % 64).astype(jnp.float32)
    prow = lax.broadcasted_iota(jnp.int32, (128, 1), 0)
    srank_b = jnp.broadcast_to(srank, (128, _HW))
    for q in range(_NCHUNK):
        target = (prow + (q * 128 + 1)).astype(jnp.float32)
        onehot = (srank_b == target).astype(jnp.float32)
        s_hi = jnp.dot(onehot, hi_col, preferred_element_type=jnp.float32)
        s_lo = jnp.dot(onehot, lo_col, preferred_element_type=jnp.float32)
        sel_ref[0, q] = s_hi[:, 0] * 64.0 + s_lo[:, 0]


_sel_call = pl.pallas_call(
    _sel_body,
    grid=(_B,),
    in_specs=[pl.BlockSpec((1, _C, _HW), lambda i: (i, 0, 0))],
    out_specs=pl.BlockSpec((1, _NCHUNK, 128), lambda i: (i, 0, 0)),
    out_shape=jax.ShapeDtypeStruct((_B, _NCHUNK, 128), jnp.float32),
)

_NC, _NS = 2, 16


def _sc_body(sel_hbm, out_hbm, sel_v, box_v):
    wid = lax.axis_index("s") * _NC + lax.axis_index("c")

    @pl.when(wid < _B)
    def _():
        b = wid
        pltpu.sync_copy(sel_hbm.at[pl.ds(b * _COUNTS, _COUNTS)], sel_v)

        def box_step(t, carry):
            iv = sel_v[pl.ds(t * 16, 16)].astype(jnp.int32)
            py = lax.shift_right_logical(iv, 6)
            px = iv & 63
            cy = py.astype(jnp.float32) * 0.125
            cx = px.astype(jnp.float32) * 0.125
            for k in range(_K):
                y1 = jnp.clip((cy - _BH2[k]) * _INV_NORM, 0.0, 1.0)
                x1 = jnp.clip((cx - _BW2[k]) * _INV_NORM, 0.0, 1.0)
                y2 = jnp.clip((cy + _BH2[k]) * _INV_NORM, 0.0, 1.0)
                x2 = jnp.clip((cx + _BW2[k]) * _INV_NORM, 0.0, 1.0)
                box_v[pl.ds((4 * k + 0) * _COUNTS + t * 16, 16)] = y1
                box_v[pl.ds((4 * k + 1) * _COUNTS + t * 16, 16)] = x1
                box_v[pl.ds((4 * k + 2) * _COUNTS + t * 16, 16)] = y2
                box_v[pl.ds((4 * k + 3) * _COUNTS + t * 16, 16)] = x2
            return carry

        lax.fori_loop(0, _COUNTS // 16, box_step, jnp.int32(0))
        pltpu.sync_copy(box_v, out_hbm.at[pl.ds(b * _OUT_PER_IMG, _OUT_PER_IMG)])


def _make_sc_call():
    return functools.partial(
        pl.kernel,
        out_type=jax.ShapeDtypeStruct((_B * _OUT_PER_IMG,), jnp.float32),
        mesh=plsc.VectorSubcoreMesh(core_axis_name="c", subcore_axis_name="s"),
        scratch_types=[
            pltpu.VMEM((_COUNTS,), jnp.float32),
            pltpu.VMEM((_OUT_PER_IMG,), jnp.float32),
        ],
    )(_sc_body)


def _tr_body(planes_ref, out_ref):
    out_ref[0] = planes_ref[0].T


_tr_call = pl.pallas_call(
    _tr_body,
    grid=(_B,),
    in_specs=[pl.BlockSpec((1, _NPLANE, _COUNTS), lambda i: (i, 0, 0))],
    out_specs=pl.BlockSpec((1, _COUNTS, _NPLANE), lambda i: (i, 0, 0)),
    out_shape=jax.ShapeDtypeStruct((_B, _COUNTS, _NPLANE), jnp.float32),
)


def kernel(feature_maps):
    x = feature_maps[0].reshape(_B, _C, _HW)
    sel = _sel_call(x)
    planes = _make_sc_call()(sel.reshape(-1))
    out = _tr_call(planes.reshape(_B, _NPLANE, _COUNTS))
    return out.reshape(_B, _COUNTS * _K, 4)

# --- scband reference (transcript-rebuilt; emitter-appended) ---
"""Pipeline reference for scband-hot-anchor-layer-32830730011548 (READ-ONLY COPY).

The authoritative reference and input builder live on the scoring server;
editing this copy changes nothing except your own understanding.
"""

import jax, jax.numpy as jnp
import numpy as np

SCALES = [32.0, 64.0, 128.0]
RATIOS = [0.5, 1.0, 2.0]
COUNTS = 1024
IMAGE_SHAPE = (512, 512, 3)


def setup_inputs(seed: int = 0):
    key = jax.random.key(seed)
    feature_maps = jax.random.normal(key, (1, 4, 384, 64, 64), dtype=jnp.float32)
    return {"feature_maps": feature_maps}


def _accumulate_heat_map(x, counts, image_shape):
    b, c, h, w = x.shape
    strides = jnp.array([image_shape[0] / h, image_shape[1] / w], dtype=jnp.float32)
    centers = []
    for i in range(b):
        fmap = x[i]
        mean = jnp.mean(jnp.mean(fmap, axis=1, keepdims=True), axis=2, keepdims=True)
        heat = jnp.sum(jnp.abs(fmap - mean), axis=0)
        flat = heat.reshape(-1)
        kval, _ = jax.lax.top_k(flat, counts)
        thresh = kval[-1]
        idx = jnp.nonzero(flat >= thresh, size=counts, fill_value=0)[0]
        py = (idx // w).astype(jnp.float32)
        px = (idx % w).astype(jnp.float32)
        pts = jnp.stack([py, px], axis=1)
        centers.append(pts / strides)
    return jnp.stack(centers, axis=0)


def _boxes_generate(centers, scales, ratios, image_shape):
    s_np, r_np = np.meshgrid(np.array(scales, dtype=np.float32), np.array(ratios, dtype=np.float32))
    s = jnp.asarray(s_np.flatten())
    r = jnp.asarray(r_np.flatten())
    heights = s / jnp.sqrt(r)
    widths = s * jnp.sqrt(r)
    B, N = centers.shape[0], centers.shape[1]
    K = heights.shape[0]
    cy = centers[:, :, 0][:, :, None]
    cx = centers[:, :, 1][:, :, None]
    bh = heights[None, None, :]
    bw = widths[None, None, :]
    boxes = jnp.stack([cy - 0.5 * bh, cx - 0.5 * bw, cy + 0.5 * bh, cx + 0.5 * bw], axis=-1)
    boxes = boxes.reshape(B, N * K, 4)
    norm = jnp.array([image_shape[0], image_shape[1], image_shape[0], image_shape[1]], dtype=jnp.float32)
    return jnp.clip(boxes / norm, 0.0, 1.0)


def reference(feature_maps):
    # feature_maps has a leading axis of size 1 emulating the list [fmap1]
    fmap = feature_maps[0]
    centers = _accumulate_heat_map(fmap, COUNTS, IMAGE_SHAPE)
    anchors = _boxes_generate(centers, SCALES, RATIOS, IMAGE_SHAPE)
    return anchors

if __name__ == "__main__":
    import jax
    _d = setup_inputs()
    print(jax.jit(kernel)(*tuple(_d.values())))

</pallas_src>

<mosaic_0001>
#map = affine_map<(d0, d1) -> (0)>
module attributes {stable_mosaic.version = 14 : i64} {
  func.func @_sc_body(%arg0: i32, %arg1: i32, %arg2: memref<4096xf32, #tpu.memory_space<hbm>>, %arg3: memref<147456xf32, #tpu.memory_space<hbm>>, %arg4: memref<1024xf32, #tpu.memory_space<vmem>>, %arg5: memref<36864xf32, #tpu.memory_space<vmem>>) attributes {dimension_semantics = [#tpu.dimension_semantics<core_parallel>, #tpu.dimension_semantics<subcore_parallel>], iteration_bounds = array<i64: 2, 16>, scalar_prefetch = 0 : i64, scratch_operands = 2 : i64, tpu.core_type = #tpu.core_type<sc_vector_subcore>, window_params = [{transform_indices = #map}, {transform_indices = #map}]} {
    %mul3A = arith.constant 2 : i32
    %mul3A_0 = arith.muli %arg1, %mul3A : i32
    %add3A = arith.addi %mul3A_0, %arg0 : i32
    %lt3A = arith.constant 4 : i32
    %lt3A_1 = arith.cmpi slt, %add3A, %lt3A : i32
    %convert_element_type3A = arith.extui %lt3A_1 : i1 to i32
    %cond3A = arith.constant 0 : i32
    %cond3A_2 = arith.cmpi ne, %convert_element_type3A, %cond3A : i32
    scf.if %cond3A_2 {
      %mul3A_3 = arith.constant 1024 : i32
      %mul3A_4 = arith.muli %add3A, %mul3A_3 : i32
      "tpu.region"() ({
        %run_scoped3A = tpu.sem_alloc : memref<!tpu.dma_semaphore, #tpu.memory_space<semaphore_mem>>
        %dma_start3A = tpu.memref_slice %arg2[%mul3A_4] : memref<4096xf32, #tpu.memory_space<hbm>> -> memref<1024xf32, #tpu.memory_space<hbm>>
        %dma_start3A_12 = tpu.memref_slice %arg2[%mul3A_4] : memref<4096xf32, #tpu.memory_space<hbm>> -> memref<1024xf32, #tpu.memory_space<hbm>>
        tpu.enqueue_dma source(%dma_start3A_12 : memref<1024xf32, #tpu.memory_space<hbm>>) target(%arg4 : memref<1024xf32, #tpu.memory_space<vmem>>) target_semaphore(%run_scoped3A : memref<!tpu.dma_semaphore, #tpu.memory_space<semaphore_mem>>)
        %dma_wait3A = tpu.memref_slice %arg2[%mul3A_4] : memref<4096xf32, #tpu.memory_space<hbm>> -> memref<1024xf32, #tpu.memory_space<hbm>>
        %dma_wait3A_13 = tpu.memref_slice %arg2[%mul3A_4] : memref<4096xf32, #tpu.memory_space<hbm>> -> memref<1024xf32, #tpu.memory_space<hbm>>
        tpu.wait_dma2 semaphore(%run_scoped3A : memref<!tpu.dma_semaphore, #tpu.memory_space<semaphore_mem>>) src(%dma_wait3A_13 : memref<1024xf32, #tpu.memory_space<hbm>>) dst(%arg4 : memref<1024xf32, #tpu.memory_space<vmem>>)
        tpu.yield
      }) : () -> ()
      %scan3A = arith.constant 0 : i32
      %scan3A_5 = arith.constant 0 : i32
      %scan3A_6 = arith.constant 64 : i32
      %scan3A_7 = arith.addi %scan3A_5, %scan3A_6 : i32
      %scan3A_8 = arith.constant 1 : i32
      scf.for %scan3A_12 = %scan3A_5 to %scan3A_7 step %scan3A_8  : i32 {
        %mul3A_13 = arith.constant 16 : i32
        %mul3A_14 = arith.muli %scan3A_12, %mul3A_13 : i32
        %get3A = arith.index_cast %mul3A_14 : i32 to index
        %get3A_15 = tpu.vector_load %arg4[%get3A] {strides = array<i32>} : memref<1024xf32, #tpu.memory_space<vmem>>, vector<16xf32>,
        %get3A_16 = vector.shape_cast %get3A_15 : vector<16xf32> to vector<16xf32>
        %convert_element_type3A_17 = arith.fptosi %get3A_16 : vector<16xf32> to vector<16xi32>
        %shift_right_logical3A = arith.constant 6 : i32
        %shift_right_logical3A_18 = vector.broadcast %shift_right_logical3A : i32 to vector<16xi32>
        %shift_right_logical3A_19 = arith.shrui %convert_element_type3A_17, %shift_right_logical3A_18 : vector<16xi32>
        %and3A = arith.constant 63 : i32
        %and3A_20 = vector.broadcast %and3A : i32 to vector<16xi32>
        %and3A_21 = arith.andi %convert_element_type3A_17, %and3A_20 : vector<16xi32>
        %convert_element_type3A_22 = arith.sitofp %shift_right_logical3A_19 : vector<16xi32> to vector<16xf32>
        %mul3A_23 = arith.constant 1.250000e-01 : f32
        %mul3A_24 = vector.broadcast %mul3A_23 : f32 to vector<16xf32>
        %mul3A_25 = arith.mulf %convert_element_type3A_22, %mul3A_24 : vector<16xf32>
        %convert_element_type3A_26 = arith.sitofp %and3A_21 : vector<16xi32> to vector<16xf32>
        %mul3A_27 = arith.constant 1.250000e-01 : f32
        %mul3A_28 = vector.broadcast %mul3A_27 : f32 to vector<16xf32>
        %mul3A_29 = arith.mulf %convert_element_type3A_26, %mul3A_28 : vector<16xf32>
        %sub3A = arith.constant 22.6274166 : f32
        %sub3A_30 = vector.broadcast %sub3A : f32 to vector<16xf32>
        %sub3A_31 = arith.subf %mul3A_25, %sub3A_30 : vector<16xf32>
        %mul3A_32 = arith.constant 0.001953125 : f32
        %mul3A_33 = vector.broadcast %mul3A_32 : f32 to vector<16xf32>
        %mul3A_34 = arith.mulf %sub3A_31, %mul3A_33 : vector<16xf32>
        %jit3A = arith.constant 0.000000e+00 : f32
        %jit3A_35 = arith.constant 1.000000e+00 : f32
        %max3A = vector.broadcast %jit3A : f32 to vector<16xf32>
        %max3A_36 = arith.maximumf %max3A, %mul3A_34 : vector<16xf32>
        %min3A = vector.broadcast %jit3A_35 : f32 to vector<16xf32>
        %min3A_37 = arith.minimumf %min3A, %max3A_36 : vector<16xf32>
        %sub3A_38 = arith.constant 11.3137083 : f32
        %sub3A_39 = vector.broadcast %sub3A_38 : f32 to vector<16xf32>
        %sub3A_40 = arith.subf %mul3A_29, %sub3A_39 : vector<16xf32>
        %mul3A_41 = arith.constant 0.001953125 : f32
        %mul3A_42 = vector.broadcast %mul3A_41 : f32 to vector<16xf32>
        %mul3A_43 = arith.mulf %sub3A_40, %mul3A_42 : vector<16xf32>
        %jit3A_44 = arith.constant 0.000000e+00 : f32
        %jit3A_45 = arith.constant 1.000000e+00 : f32
        %max3A_46 = vector.broadcast %jit3A_44 : f32 to vector<16xf32>
        %max3A_47 = arith.maximumf %max3A_46, %mul3A_43 : vector<16xf32>
        %min3A_48 = vector.broadcast %jit3A_45 : f32 to vector<16xf32>
        %min3A_49 = arith.minimumf %min3A_48, %max3A_47 : vector<16xf32>
        %add3A_50 = arith.constant 22.6274166 : f32
        %add3A_51 = vector.broadcast %add3A_50 : f32 to vector<16xf32>
        %add3A_52 = arith.addf %mul3A_25, %add3A_51 : vector<16xf32>
        %mul3A_53 = arith.constant 0.001953125 : f32
        %mul3A_54 = vector.broadcast %mul3A_53 : f32 to vector<16xf32>
        %mul3A_55 = arith.mulf %add3A_52, %mul3A_54 : vector<16xf32>
        %jit3A_56 = arith.constant 0.000000e+00 : f32
        %jit3A_57 = arith.constant 1.000000e+00 : f32
        %max3A_58 = vector.broadcast %jit3A_56 : f32 to vector<16xf32>
        %max3A_59 = arith.maximumf %max3A_58, %mul3A_55 : vector<16xf32>
        %min3A_60 = vector.broadcast %jit3A_57 : f32 to vector<16xf32>
        %min3A_61 = arith.minimumf %min3A_60, %max3A_59 : vector<16xf32>
        %add3A_62 = arith.constant 11.3137083 : f32
        %add3A_63 = vector.broadcast %add3A_62 : f32 to vector<16xf32>
        %add3A_64 = arith.addf %mul3A_29, %add3A_63 : vector<16xf32>
        %mul3A_65 = arith.constant 0.001953125 : f32
        %mul3A_66 = vector.broadcast %mul3A_65 : f32 to vector<16xf32>
        %mul3A_67 = arith.mulf %add3A_64, %mul3A_66 : vector<16xf32>
        %jit3A_68 = arith.constant 0.000000e+00 : f32
        %jit3A_69 = arith.constant 1.000000e+00 : f32
        %max3A_70 = vector.broadcast %jit3A_68 : f32 to vector<16xf32>
        %max3A_71 = arith.maximumf %max3A_70, %mul3A_67 : vector<16xf32>
        %min3A_72 = vector.broadcast %jit3A_69 : f32 to vector<16xf32>
        %min3A_73 = arith.minimumf %min3A_72, %max3A_71 : vector<16xf32>
        %mul3A_74 = arith.constant 16 : i32
        %mul3A_75 = arith.muli %scan3A_12, %mul3A_74 : i32
        %add3A_76 = arith.constant 0 : i32
        %add3A_77 = arith.addi %add3A_76, %mul3A_75 : i32
        %swap3A = arith.index_cast %add3A_77 : i32 to index
        %swap3A_78 = tpu.vector_load %arg5[%swap3A] {strides = array<i32>} : memref<36864xf32, #tpu.memory_space<vmem>>, vector<16xf32>,
        %swap3A_79 = vector.shape_cast %swap3A_78 : vector<16xf32> to vector<16xf32>
        %swap3A_80 = vector.shape_cast %min3A_37 : vector<16xf32> to vector<16xf32>
        tpu.vector_store %arg5[%swap3A], %swap3A_80 {strides = array<i32>} : memref<36864xf32, #tpu.memory_space<vmem>>, vector<16xf32>,
        %mul3A_81 = arith.constant 16 : i32
        %mul3A_82 = arith.muli %scan3A_12, %mul3A_81 : i32
        %add3A_83 = arith.constant 1024 : i32
        %add3A_84 = arith.addi %add3A_83, %mul3A_82 : i32
        %swap3A_85 = arith.index_cast %add3A_84 : i32 to index
        %swap3A_86 = tpu.vector_load %arg5[%swap3A_85] {strides = array<i32>} : memref<36864xf32, #tpu.memory_space<vmem>>, vector<16xf32>,
        %swap3A_87 = vector.shape_cast %swap3A_86 : vector<16xf32> to vector<16xf32>
        %swap3A_88 = vector.shape_cast %min3A_49 : vector<16xf32> to vector<16xf32>
        tpu.vector_store %arg5[%swap3A_85], %swap3A_88 {strides = array<i32>} : memref<36864xf32, #tpu.memory_space<vmem>>, vector<16xf32>,
        %mul3A_89 = arith.constant 16 : i32
        %mul3A_90 = arith.muli %scan3A_12, %mul3A_89 : i32
        %add3A_91 = arith.constant 2048 : i32
        %add3A_92 = arith.addi %add3A_91, %mul3A_90 : i32
        %swap3A_93 = arith.index_cast %add3A_92 : i32 to index
        %swap3A_94 = tpu.vector_load %arg5[%swap3A_93] {strides = array<i32>} : memref<36864xf32, #tpu.memory_space<vmem>>, vector<16xf32>,
        %swap3A_95 = vector.shape_cast %swap3A_94 : vector<16xf32> to vector<16xf32>
        %swap3A_96 = vector.shape_cast %min3A_61 : vector<16xf32> to vector<16xf32>
        tpu.vector_store %arg5[%swap3A_93], %swap3A_96 {strides = array<i32>} : memref<36864xf32, #tpu.memory_space<vmem>>, vector<16xf32>,
        %mul3A_97 = arith.constant 16 : i32
        %mul3A_98 = arith.muli %scan3A_12, %mul3A_97 : i32
        %add3A_99 = arith.constant 3072 : i32
        %add3A_100 = arith.addi %add3A_99, %mul3A_98 : i32
        %swap3A_101 = arith.index_cast %add3A_100 : i32 to index
        %swap3A_102 = tpu.vector_load %arg5[%swap3A_101] {strides = array<i32>} : memref<36864xf32, #tpu.memory_space<vmem>>, vector<16xf32>,
        %swap3A_103 = vector.shape_cast %swap3A_102 : vector<16xf32> to vector<16xf32>
        %swap3A_104 = vector.shape_cast %min3A_73 : vector<16xf32> to vector<16xf32>
        tpu.vector_store %arg5[%swap3A_101], %swap3A_104 {strides = array<i32>} : memref<36864xf32, #tpu.memory_space<vmem>>, vector<16xf32>,
        %sub3A_105 = arith.constant 45.2548332 : f32
        %sub3A_106 = vector.broadcast %sub3A_105 : f32 to vector<16xf32>
        %sub3A_107 = arith.subf %mul3A_25, %sub3A_106 : vector<16xf32>
        %mul3A_108 = arith.constant 0.001953125 : f32
        %mul3A_109 = vector.broadcast %mul3A_108 : f32 to vector<16xf32>
        %mul3A_110 = arith.mulf %sub3A_107, %mul3A_109 : vector<16xf32>
        %jit3A_111 = arith.constant 0.000000e+00 : f32
        %jit3A_112 = arith.constant 1.000000e+00 : f32
        %max3A_113 = vector.broadcast %jit3A_111 : f32 to vector<16xf32>
        %max3A_114 = arith.maximumf %max3A_113, %mul3A_110 : vector<16xf32>
        %min3A_115 = vector.broadcast %jit3A_112 : f32 to vector<16xf32>
        %min3A_116 = arith.minimumf %min3A_115, %max3A_114 : vector<16xf32>
        %sub3A_117 = arith.constant 22.6274166 : f32
        %sub3A_118 = vector.broadcast %sub3A_117 : f32 to vector<16xf32>
        %sub3A_119 = arith.subf %mul3A_29, %sub3A_118 : vector<16xf32>
        %mul3A_120 = arith.constant 0.001953125 : f32
        %mul3A_121 = vector.broadcast %mul3A_120 : f32 to vector<16xf32>
        %mul3A_122 = arith.mulf %sub3A_119, %mul3A_121 : vector<16xf32>
        %jit3A_123 = arith.constant 0.000000e+00 : f32
        %jit3A_124 = arith.constant 1.000000e+00 : f32
        %max3A_125 = vector.broadcast %jit3A_123 : f32 to vector<16xf32>
        %max3A_126 = arith.maximumf %max3A_125, %mul3A_122 : vector<16xf32>
        %min3A_127 = vector.broadcast %jit3A_124 : f32 to vector<16xf32>
        %min3A_128 = arith.minimumf %min3A_127, %max3A_126 : vector<16xf32>
        %add3A_129 = arith.constant 45.2548332 : f32
        %add3A_130 = vector.broadcast %add3A_129 : f32 to vector<16xf32>
        %add3A_131 = arith.addf %mul3A_25, %add3A_130 : vector<16xf32>
        %mul3A_132 = arith.constant 0.001953125 : f32
        %mul3A_133 = vector.broadcast %mul3A_132 : f32 to vector<16xf32>
        %mul3A_134 = arith.mulf %add3A_131, %mul3A_133 : vector<16xf32>
        %jit3A_135 = arith.constant 0.000000e+00 : f32
        %jit3A_136 = arith.constant 1.000000e+00 : f32
        %max3A_137 = vector.broadcast %jit3A_135 : f32 to vector<16xf32>
        %max3A_138 = arith.maximumf %max3A_137, %mul3A_134 : vector<16xf32>
        %min3A_139 = vector.broadcast %jit3A_136 : f32 to vector<16xf32>
        %min3A_140 = arith.minimumf %min3A_139, %max3A_138 : vector<16xf32>
        %add3A_141 = arith.constant 22.6274166 : f32
        %add3A_142 = vector.broadcast %add3A_141 : f32 to vector<16xf32>
        %add3A_143 = arith.addf %mul3A_29, %add3A_142 : vector<16xf32>
        %mul3A_144 = arith.constant 0.001953125 : f32
        %mul3A_145 = vector.broadcast %mul3A_144 : f32 to vector<16xf32>
        %mul3A_146 = arith.mulf %add3A_143, %mul3A_145 : vector<16xf32>
        %jit3A_147 = arith.constant 0.000000e+00 : f32
        %jit3A_148 = arith.constant 1.000000e+00 : f32
        %max3A_149 = vector.broadcast %jit3A_147 : f32 to vector<16xf32>
        %max3A_150 = arith.maximumf %max3A_149, %mul3A_146 : vector<16xf32>
        %min3A_151 = vector.broadcast %jit3A_148 : f32 to vector<16xf32>
        %min3A_152 = arith.minimumf %min3A_151, %max3A_150 : vector<16xf32>
        %mul3A_153 = arith.constant 16 : i32
        %mul3A_154 = arith.muli %scan3A_12, %mul3A_153 : i32
        %add3A_155 = arith.constant 4096 : i32
        %add3A_156 = arith.addi %add3A_155, %mul3A_154 : i32
        %swap3A_157 = arith.index_cast %add3A_156 : i32 to index
        %swap3A_158 = tpu.vector_load %arg5[%swap3A_157] {strides = array<i32>} : memref<36864xf32, #tpu.memory_space<vmem>>, vector<16xf32>,
        %swap3A_159 = vector.shape_cast %swap3A_158 : vector<16xf32> to vector<16xf32>
        %swap3A_160 = vector.shape_cast %min3A_116 : vector<16xf32> to vector<16xf32>
        tpu.vector_store %arg5[%swap3A_157], %swap3A_160 {strides = array<i32>} : memref<36864xf32, #tpu.memory_space<vmem>>, vector<16xf32>,
        %mul3A_161 = arith.constant 16 : i32
        %mul3A_162 = arith.muli %scan3A_12, %mul3A_161 : i32
        %add3A_163 = arith.constant 5120 : i32
        %add3A_164 = arith.addi %add3A_163, %mul3A_162 : i32
        %swap3A_165 = arith.index_cast %add3A_164 : i32 to index
        %swap3A_166 = tpu.vector_load %arg5[%swap3A_165] {strides = array<i32>} : memref<36864xf32, #tpu.memory_space<vmem>>, vector<16xf32>,
        %swap3A_167 = vector.shape_cast %swap3A_166 : vector<16xf32> to vector<16xf32>
        %swap3A_168 = vector.shape_cast %min3A_128 : vector<16xf32> to vector<16xf32>
        tpu.vector_store %arg5[%swap3A_165], %swap3A_168 {strides = array<i32>} : memref<36864xf32, #tpu.memory_space<vmem>>, vector<16xf32>,
        %mul3A_169 = arith.constant 16 : i32
        %mul3A_170 = arith.muli %scan3A_12, %mul3A_169 : i32
        %add3A_171 = arith.constant 6144 : i32
        %add3A_172 = arith.addi %add3A_171, %mul3A_170 : i32
        %swap3A_173 = arith.index_cast %add3A_172 : i32 to index
        %swap3A_174 = tpu.vector_load %arg5[%swap3A_173] {strides = array<i32>} : memref<36864xf32, #tpu.memory_space<vmem>>, vector<16xf32>,
        %swap3A_175 = vector.shape_cast %swap3A_174 : vector<16xf32> to vector<16xf32>
        %swap3A_176 = vector.shape_cast %min3A_140 : vector<16xf32> to vector<16xf32>
        tpu.vector_store %arg5[%swap3A_173], %swap3A_176 {strides = array<i32>} : memref<36864xf32, #tpu.memory_space<vmem>>, vector<16xf32>,
        %mul3A_177 = arith.constant 16 : i32
        %mul3A_178 = arith.muli %scan3A_12, %mul3A_177 : i32
        %add3A_179 = arith.constant 7168 : i32
        %add3A_180 = arith.addi %add3A_179, %mul3A_178 : i32
        %swap3A_181 = arith.index_cast %add3A_180 : i32 to index
        %swap3A_182 = tpu.vector_load %arg5[%swap3A_181] {strides = array<i32>} : memref<36864xf32, #tpu.memory_space<vmem>>, vector<16xf32>,
        %swap3A_183 = vector.shape_cast %swap3A_182 : vector<16xf32> to vector<16xf32>
        %swap3A_184 = vector.shape_cast %min3A_152 : vector<16xf32> to vector<16xf32>
        tpu.vector_store %arg5[%swap3A_181], %swap3A_184 {strides = array<i32>} : memref<36864xf32, #tpu.memory_space<vmem>>, vector<16xf32>,
        %sub3A_185 = arith.constant 90.5096664 : f32
        %sub3A_186 = vector.broadcast %sub3A_185 : f32 to vector<16xf32>
        %sub3A_187 = arith.subf %mul3A_25, %sub3A_186 : vector<16xf32>
        %mul3A_188 = arith.constant 0.001953125 : f32
        %mul3A_189 = vector.broadcast %mul3A_188 : f32 to vector<16xf32>
        %mul3A_190 = arith.mulf %sub3A_187, %mul3A_189 : vector<16xf32>
        %jit3A_191 = arith.constant 0.000000e+00 : f32
        %jit3A_192 = arith.constant 1.000000e+00 : f32
        %max3A_193 = vector.broadcast %jit3A_191 : f32 to vector<16xf32>
        %max3A_194 = arith.maximumf %max3A_193, %mul3A_190 : vector<16xf32>
        %min3A_195 = vector.broadcast %jit3A_192 : f32 to vector<16xf32>
        %min3A_196 = arith.minimumf %min3A_195, %max3A_194 : vector<16xf32>
        %sub3A_197 = arith.constant 45.2548332 : f32
        %sub3A_198 = vector.broadcast %sub3A_197 : f32 to vector<16xf32>
        %sub3A_199 = arith.subf %mul3A_29, %sub3A_198 : vector<16xf32>
        %mul3A_200 = arith.constant 0.001953125 : f32
        %mul3A_201 = vector.broadcast %mul3A_200 : f32 to vector<16xf32>
        %mul3A_202 = arith.mulf %sub3A_199, %mul3A_201 : vector<16xf32>
        %jit3A_203 = arith.constant 0.000000e+00 : f32
        %jit3A_204 = arith.constant 1.000000e+00 : f32
        %max3A_205 = vector.broadcast %jit3A_203 : f32 to vector<16xf32>
        %max3A_206 = arith.maximumf %max3A_205, %mul3A_202 : vector<16xf32>
        %min3A_207 = vector.broadcast %jit3A_204 : f32 to vector<16xf32>
        %min3A_208 = arith.minimumf %min3A_207, %max3A_206 : vector<16xf32>
        %add3A_209 = arith.constant 90.5096664 : f32
        %add3A_210 = vector.broadcast %add3A_209 : f32 to vector<16xf32>
        %add3A_211 = arith.addf %mul3A_25, %add3A_210 : vector<16xf32>
        %mul3A_212 = arith.constant 0.001953125 : f32
        %mul3A_213 = vector.broadcast %mul3A_212 : f32 to vector<16xf32>
        %mul3A_214 = arith.mulf %add3A_211, %mul3A_213 : vector<16xf32>
        %jit3A_215 = arith.constant 0.000000e+00 : f32
        %jit3A_216 = arith.constant 1.000000e+00 : f32
        %max3A_217 = vector.broadcast %jit3A_215 : f32 to vector<16xf32>
        %max3A_218 = arith.maximumf %max3A_217, %mul3A_214 : vector<16xf32>
        %min3A_219 = vector.broadcast %jit3A_216 : f32 to vector<16xf32>
        %min3A_220 = arith.minimumf %min3A_219, %max3A_218 : vector<16xf32>
        %add3A_221 = arith.constant 45.2548332 : f32
        %add3A_222 = vector.broadcast %add3A_221 : f32 to vector<16xf32>
        %add3A_223 = arith.addf %mul3A_29, %add3A_222 : vector<16xf32>
        %mul3A_224 = arith.constant 0.001953125 : f32
        %mul3A_225 = vector.broadcast %mul3A_224 : f32 to vector<16xf32>
        %mul3A_226 = arith.mulf %add3A_223, %mul3A_225 : vector<16xf32>
        %jit3A_227 = arith.constant 0.000000e+00 : f32
        %jit3A_228 = arith.constant 1.000000e+00 : f32
        %max3A_229 = vector.broadcast %jit3A_227 : f32 to vector<16xf32>
        %max3A_230 = arith.maximumf %max3A_229, %mul3A_226 : vector<16xf32>
        %min3A_231 = vector.broadcast %jit3A_228 : f32 to vector<16xf32>
        %min3A_232 = arith.minimumf %min3A_231, %max3A_230 : vector<16xf32>
        %mul3A_233 = arith.constant 16 : i32
        %mul3A_234 = arith.muli %scan3A_12, %mul3A_233 : i32
        %add3A_235 = arith.constant 8192 : i32
        %add3A_236 = arith.addi %add3A_235, %mul3A_234 : i32
        %swap3A_237 = arith.index_cast %add3A_236 : i32 to index
        %swap3A_238 = tpu.vector_load %arg5[%swap3A_237] {strides = array<i32>} : memref<36864xf32, #tpu.memory_space<vmem>>, vector<16xf32>,
        %swap3A_239 = vector.shape_cast %swap3A_238 : vector<16xf32> to vector<16xf32>
        %swap3A_240 = vector.shape_cast %min3A_196 : vector<16xf32> to vector<16xf32>
        tpu.vector_store %arg5[%swap3A_237], %swap3A_240 {strides = array<i32>} : memref<36864xf32, #tpu.memory_space<vmem>>, vector<16xf32>,
        %mul3A_241 = arith.constant 16 : i32
        %mul3A_242 = arith.muli %scan3A_12, %mul3A_241 : i32
        %add3A_243 = arith.constant 9216 : i32
        %add3A_244 = arith.addi %add3A_243, %mul3A_242 : i32
        %swap3A_245 = arith.index_cast %add3A_244 : i32 to index
        %swap3A_246 = tpu.vector_load %arg5[%swap3A_245] {strides = array<i32>} : memref<36864xf32, #tpu.memory_space<vmem>>, vector<16xf32>,
        %swap3A_247 = vector.shape_cast %swap3A_246 : vector<16xf32> to vector<16xf32>
        %swap3A_248 = vector.shape_cast %min3A_208 : vector<16xf32> to vector<16xf32>
        tpu.vector_store %arg5[%swap3A_245], %swap3A_248 {strides = array<i32>} : memref<36864xf32, #tpu.memory_space<vmem>>, vector<16xf32>,
        %mul3A_249 = arith.constant 16 : i32
        %mul3A_250 = arith.muli %scan3A_12, %mul3A_249 : i32
        %add3A_251 = arith.constant 10240 : i32
        %add3A_252 = arith.addi %add3A_251, %mul3A_250 : i32
        %swap3A_253 = arith.index_cast %add3A_252 : i32 to index
        %swap3A_254 = tpu.vector_load %arg5[%swap3A_253] {strides = array<i32>} : memref<36864xf32, #tpu.memory_space<vmem>>, vector<16xf32>,
        %swap3A_255 = vector.shape_cast %swap3A_254 : vector<16xf32> to vector<16xf32>
        %swap3A_256 = vector.shape_cast %min3A_220 : vector<16xf32> to vector<16xf32>
        tpu.vector_store %arg5[%swap3A_253], %swap3A_256 {strides = array<i32>} : memref<36864xf32, #tpu.memory_space<vmem>>, vector<16xf32>,
        %mul3A_257 = arith.constant 16 : i32
        %mul3A_258 = arith.muli %scan3A_12, %mul3A_257 : i32
        %add3A_259 = arith.constant 11264 : i32
        %add3A_260 = arith.addi %add3A_259, %mul3A_258 : i32
        %swap3A_261 = arith.index_cast %add3A_260 : i32 to index
        %swap3A_262 = tpu.vector_load %arg5[%swap3A_261] {strides = array<i32>} : memref<36864xf32, #tpu.memory_space<vmem>>, vector<16xf32>,
        %swap3A_263 = vector.shape_cast %swap3A_262 : vector<16xf32> to vector<16xf32>
        %swap3A_264 = vector.shape_cast %min3A_232 : vector<16xf32> to vector<16xf32>
        tpu.vector_store %arg5[%swap3A_261], %swap3A_264 {strides = array<i32>} : memref<36864xf32, #tpu.memory_space<vmem>>, vector<16xf32>,
        %sub3A_265 = arith.constant 1.600000e+01 : f32
        %sub3A_266 = vector.broadcast %sub3A_265 : f32 to vector<16xf32>
        %sub3A_267 = arith.subf %mul3A_25, %sub3A_266 : vector<16xf32>
        %mul3A_268 = arith.constant 0.001953125 : f32
        %mul3A_269 = vector.broadcast %mul3A_268 : f32 to vector<16xf32>
        %mul3A_270 = arith.mulf %sub3A_267, %mul3A_269 : vector<16xf32>
        %jit3A_271 = arith.constant 0.000000e+00 : f32
        %jit3A_272 = arith.constant 1.000000e+00 : f32
        %max3A_273 = vector.broadcast %jit3A_271 : f32 to vector<16xf32>
        %max3A_274 = arith.maximumf %max3A_273, %mul3A_270 : vector<16xf32>
        %min3A_275 = vector.broadcast %jit3A_272 : f32 to vector<16xf32>
        %min3A_276 = arith.minimumf %min3A_275, %max3A_274 : vector<16xf32>
        %sub3A_277 = arith.constant 1.600000e+01 : f32
        %sub3A_278 = vector.broadcast %sub3A_277 : f32 to vector<16xf32>
        %sub3A_279 = arith.subf %mul3A_29, %sub3A_278 : vector<16xf32>
        %mul3A_280 = arith.constant 0.001953125 : f32
        %mul3A_281 = vector.broadcast %mul3A_280 : f32 to vector<16xf32>
        %mul3A_282 = arith.mulf %sub3A_279, %mul3A_281 : vector<16xf32>
        %jit3A_283 = arith.constant 0.000000e+00 : f32
        %jit3A_284 = arith.constant 1.000000e+00 : f32
        %max3A_285 = vector.broadcast %jit3A_283 : f32 to vector<16xf32>
        %max3A_286 = arith.maximumf %max3A_285, %mul3A_282 : vector<16xf32>
        %min3A_287 = vector.broadcast %jit3A_284 : f32 to vector<16xf32>
        %min3A_288 = arith.minimumf %min3A_287, %max3A_286 : vector<16xf32>
        %add3A_289 = arith.constant 1.600000e+01 : f32
        %add3A_290 = vector.broadcast %add3A_289 : f32 to vector<16xf32>
        %add3A_291 = arith.addf %mul3A_25, %add3A_290 : vector<16xf32>
        %mul3A_292 = arith.constant 0.001953125 : f32
        %mul3A_293 = vector.broadcast %mul3A_292 : f32 to vector<16xf32>
        %mul3A_294 = arith.mulf %add3A_291, %mul3A_293 : vector<16xf32>
        %jit3A_295 = arith.constant 0.000000e+00 : f32
        %jit3A_296 = arith.constant 1.000000e+00 : f32
        %max3A_297 = vector.broadcast %jit3A_295 : f32 to vector<16xf32>
        %max3A_298 = arith.maximumf %max3A_297, %mul3A_294 : vector<16xf32>
        %min3A_299 = vector.broadcast %jit3A_296 : f32 to vector<16xf32>
        %min3A_300 = arith.minimumf %min3A_299, %max3A_298 : vector<16xf32>
        %add3A_301 = arith.constant 1.600000e+01 : f32
        %add3A_302 = vector.broadcast %add3A_301 : f32 to vector<16xf32>
        %add3A_303 = arith.addf %mul3A_29, %add3A_302 : vector<16xf32>
        %mul3A_304 = arith.constant 0.001953125 : f32
        %mul3A_305 = vector.broadcast %mul3A_304 : f32 to vector<16xf32>
        %mul3A_306 = arith.mulf %add3A_303, %mul3A_305 : vector<16xf32>
        %jit3A_307 = arith.constant 0.000000e+00 : f32
        %jit3A_308 = arith.constant 1.000000e+00 : f32
        %max3A_309 = vector.broadcast %jit3A_307 : f32 to vector<16xf32>
        %max3A_310 = arith.maximumf %max3A_309, %mul3A_306 : vector<16xf32>
        %min3A_311 = vector.broadcast %jit3A_308 : f32 to vector<16xf32>
        %min3A_312 = arith.minimumf %min3A_311, %max3A_310 : vector<16xf32>
        %mul3A_313 = arith.constant 16 : i32
        %mul3A_314 = arith.muli %scan3A_12, %mul3A_313 : i32
        %add3A_315 = arith.constant 12288 : i32
        %add3A_316 = arith.addi %add3A_315, %mul3A_314 : i32
        %swap3A_317 = arith.index_cast %add3A_316 : i32 to index
        %swap3A_318 = tpu.vector_load %arg5[%swap3A_317] {strides = array<i32>} : memref<36864xf32, #tpu.memory_space<vmem>>, vector<16xf32>,
        %swap3A_319 = vector.shape_cast %swap3A_318 : vector<16xf32> to vector<16xf32>
        %swap3A_320 = vector.shape_cast %min3A_276 : vector<16xf32> to vector<16xf32>
        tpu.vector_store %arg5[%swap3A_317], %swap3A_320 {strides = array<i32>} : memref<36864xf32, #tpu.memory_space<vmem>>, vector<16xf32>,
        %mul3A_321 = arith.constant 16 : i32
        %mul3A_322 = arith.muli %scan3A_12, %mul3A_321 : i32
        %add3A_323 = arith.constant 13312 : i32
        %add3A_324 = arith.addi %add3A_323, %mul3A_322 : i32
        %swap3A_325 = arith.index_cast %add3A_324 : i32 to index
        %swap3A_326 = tpu.vector_load %arg5[%swap3A_325] {strides = array<i32>} : memref<36864xf32, #tpu.memory_space<vmem>>, vector<16xf32>,
        %swap3A_327 = vector.shape_cast %swap3A_326 : vector<16xf32> to vector<16xf32>
        %swap3A_328 = vector.shape_cast %min3A_288 : vector<16xf32> to vector<16xf32>
        tpu.vector_store %arg5[%swap3A_325], %swap3A_328 {strides = array<i32>} : memref<36864xf32, #tpu.memory_space<vmem>>, vector<16xf32>,
        %mul3A_329 = arith.constant 16 : i32
        %mul3A_330 = arith.muli %scan3A_12, %mul3A_329 : i32
        %add3A_331 = arith.constant 14336 : i32
        %add3A_332 = arith.addi %add3A_331, %mul3A_330 : i32
        %swap3A_333 = arith.index_cast %add3A_332 : i32 to index
        %swap3A_334 = tpu.vector_load %arg5[%swap3A_333] {strides = array<i32>} : memref<36864xf32, #tpu.memory_space<vmem>>, vector<16xf32>,
        %swap3A_335 = vector.shape_cast %swap3A_334 : vector<16xf32> to vector<16xf32>
        %swap3A_336 = vector.shape_cast %min3A_300 : vector<16xf32> to vector<16xf32>
        tpu.vector_store %arg5[%swap3A_333], %swap3A_336 {strides = array<i32>} : memref<36864xf32, #tpu.memory_space<vmem>>, vector<16xf32>,
        %mul3A_337 = arith.constant 16 : i32
        %mul3A_338 = arith.muli %scan3A_12, %mul3A_337 : i32
        %add3A_339 = arith.constant 15360 : i32
        %add3A_340 = arith.addi %add3A_339, %mul3A_338 : i32
        %swap3A_341 = arith.index_cast %add3A_340 : i32 to index
        %swap3A_342 = tpu.vector_load %arg5[%swap3A_341] {strides = array<i32>} : memref<36864xf32, #tpu.memory_space<vmem>>, vector<16xf32>,
        %swap3A_343 = vector.shape_cast %swap3A_342 : vector<16xf32> to vector<16xf32>
        %swap3A_344 = vector.shape_cast %min3A_312 : vector<16xf32> to vector<16xf32>
        tpu.vector_store %arg5[%swap3A_341], %swap3A_344 {strides = array<i32>} : memref<36864xf32, #tpu.memory_space<vmem>>, vector<16xf32>,
        %sub3A_345 = arith.constant 3.200000e+01 : f32
        %sub3A_346 = vector.broadcast %sub3A_345 : f32 to vector<16xf32>
        %sub3A_347 = arith.subf %mul3A_25, %sub3A_346 : vector<16xf32>
        %mul3A_348 = arith.constant 0.001953125 : f32
        %mul3A_349 = vector.broadcast %mul3A_348 : f32 to vector<16xf32>
        %mul3A_350 = arith.mulf %sub3A_347, %mul3A_349 : vector<16xf32>
        %jit3A_351 = arith.constant 0.000000e+00 : f32
        %jit3A_352 = arith.constant 1.000000e+00 : f32
        %max3A_353 = vector.broadcast %jit3A_351 : f32 to vector<16xf32>
        %max3A_354 = arith.maximumf %max3A_353, %mul3A_350 : vector<16xf32>
        %min3A_355 = vector.broadcast %jit3A_352 : f32 to vector<16xf32>
        %min3A_356 = arith.minimumf %min3A_355, %max3A_354 : vector<16xf32>
        %sub3A_357 = arith.constant 3.200000e+01 : f32
        %sub3A_358 = vector.broadcast %sub3A_357 : f32 to vector<16xf32>
        %sub3A_359 = arith.subf %mul3A_29, %sub3A_358 : vector<16xf32>
        %mul3A_360 = arith.constant 0.001953125 : f32
        %mul3A_361 = vector.broadcast %mul3A_360 : f32 to vector<16xf32>
        %mul3A_362 = arith.mulf %sub3A_359, %mul3A_361 : vector<16xf32>
        %jit3A_363 = arith.constant 0.000000e+00 : f32
        %jit3A_364 = arith.constant 1.000000e+00 : f32
        %max3A_365 = vector.broadcast %jit3A_363 : f32 to vector<16xf32>
        %max3A_366 = arith.maximumf %max3A_365, %mul3A_362 : vector<16xf32>
        %min3A_367 = vector.broadcast %jit3A_364 : f32 to vector<16xf32>
        %min3A_368 = arith.minimumf %min3A_367, %max3A_366 : vector<16xf32>
        %add3A_369 = arith.constant 3.200000e+01 : f32
        %add3A_370 = vector.broadcast %add3A_369 : f32 to vector<16xf32>
        %add3A_371 = arith.addf %mul3A_25, %add3A_370 : vector<16xf32>
        %mul3A_372 = arith.constant 0.001953125 : f32
        %mul3A_373 = vector.broadcast %mul3A_372 : f32 to vector<16xf32>
        %mul3A_374 = arith.mulf %add3A_371, %mul3A_373 : vector<16xf32>
        %jit3A_375 = arith.constant 0.000000e+00 : f32
        %jit3A_376 = arith.constant 1.000000e+00 : f32
        %max3A_377 = vector.broadcast %jit3A_375 : f32 to vector<16xf32>
        %max3A_378 = arith.maximumf %max3A_377, %mul3A_374 : vector<16xf32>
        %min3A_379 = vector.broadcast %jit3A_376 : f32 to vector<16xf32>
        %min3A_380 = arith.minimumf %min3A_379, %max3A_378 : vector<16xf32>
        %add3A_381 = arith.constant 3.200000e+01 : f32
        %add3A_382 = vector.broadcast %add3A_381 : f32 to vector<16xf32>
        %add3A_383 = arith.addf %mul3A_29, %add3A_382 : vector<16xf32>
        %mul3A_384 = arith.constant 0.001953125 : f32
        %mul3A_385 = vector.broadcast %mul3A_384 : f32 to vector<16xf32>
        %mul3A_386 = arith.mulf %add3A_383, %mul3A_385 : vector<16xf32>
        %jit3A_387 = arith.constant 0.000000e+00 : f32
        %jit3A_388 = arith.constant 1.000000e+00 : f32
        %max3A_389 = vector.broadcast %jit3A_387 : f32 to vector<16xf32>
        %max3A_390 = arith.maximumf %max3A_389, %mul3A_386 : vector<16xf32>
        %min3A_391 = vector.broadcast %jit3A_388 : f32 to vector<16xf32>
        %min3A_392 = arith.minimumf %min3A_391, %max3A_390 : vector<16xf32>
        %mul3A_393 = arith.constant 16 : i32
        %mul3A_394 = arith.muli %scan3A_12, %mul3A_393 : i32
        %add3A_395 = arith.constant 16384 : i32
        %add3A_396 = arith.addi %add3A_395, %mul3A_394 : i32
        %swap3A_397 = arith.index_cast %add3A_396 : i32 to index
        %swap3A_398 = tpu.vector_load %arg5[%swap3A_397] {strides = array<i32>} : memref<36864xf32, #tpu.memory_space<vmem>>, vector<16xf32>,
        %swap3A_399 = vector.shape_cast %swap3A_398 : vector<16xf32> to vector<16xf32>
        %swap3A_400 = vector.shape_cast %min3A_356 : vector<16xf32> to vector<16xf32>
        tpu.vector_store %arg5[%swap3A_397], %swap3A_400 {strides = array<i32>} : memref<36864xf32, #tpu.memory_space<vmem>>, vector<16xf32>,
        %mul3A_401 = arith.constant 16 : i32
        %mul3A_402 = arith.muli %scan3A_12, %mul3A_401 : i32
        %add3A_403 = arith.constant 17408 : i32
        %add3A_404 = arith.addi %add3A_403, %mul3A_402 : i32
        %swap3A_405 = arith.index_cast %add3A_404 : i32 to index
        %swap3A_406 = tpu.vector_load %arg5[%swap3A_405] {strides = array<i32>} : memref<36864xf32, #tpu.memory_space<vmem>>, vector<16xf32>,
        %swap3A_407 = vector.shape_cast %swap3A_406 : vector<16xf32> to vector<16xf32>
        %swap3A_408 = vector.shape_cast %min3A_368 : vector<16xf32> to vector<16xf32>
        tpu.vector_store %arg5[%swap3A_405], %swap3A_408 {strides = array<i32>} : memref<36864xf32, #tpu.memory_space<vmem>>, vector<16xf32>,
        %mul3A_409 = arith.constant 16 : i32
        %mul3A_410 = arith.muli %scan3A_12, %mul3A_409 : i32
        %add3A_411 = arith.constant 18432 : i32
        %add3A_412 = arith.addi %add3A_411, %mul3A_410 : i32
        %swap3A_413 = arith.index_cast %add3A_412 : i32 to index
        %swap3A_414 = tpu.vector_load %arg5[%swap3A_413] {strides = array<i32>} : memref<36864xf32, #tpu.memory_space<vmem>>, vector<16xf32>,
        %swap3A_415 = vector.shape_cast %swap3A_414 : vector<16xf32> to vector<16xf32>
        %swap3A_416 = vector.shape_cast %min3A_380 : vector<16xf32> to vector<16xf32>
        tpu.vector_store %arg5[%swap3A_413], %swap3A_416 {strides = array<i32>} : memref<36864xf32, #tpu.memory_space<vmem>>, vector<16xf32>,
        %mul3A_417 = arith.constant 16 : i32
        %mul3A_418 = arith.muli %scan3A_12, %mul3A_417 : i32
        %add3A_419 = arith.constant 19456 : i32
        %add3A_420 = arith.addi %add3A_419, %mul3A_418 : i32
        %swap3A_421 = arith.index_cast %add3A_420 : i32 to index
        %swap3A_422 = tpu.vector_load %arg5[%swap3A_421] {strides = array<i32>} : memref<36864xf32, #tpu.memory_space<vmem>>, vector<16xf32>,
        %swap3A_423 = vector.shape_cast %swap3A_422 : vector<16xf32> to vector<16xf32>
        %swap3A_424 = vector.shape_cast %min3A_392 : vector<16xf32> to vector<16xf32>
        tpu.vector_store %arg5[%swap3A_421], %swap3A_424 {strides = array<i32>} : memref<36864xf32, #tpu.memory_space<vmem>>, vector<16xf32>,
        %sub3A_425 = arith.constant 6.400000e+01 : f32
        %sub3A_426 = vector.broadcast %sub3A_425 : f32 to vector<16xf32>
        %sub3A_427 = arith.subf %mul3A_25, %sub3A_426 : vector<16xf32>
        %mul3A_428 = arith.constant 0.001953125 : f32
        %mul3A_429 = vector.broadcast %mul3A_428 : f32 to vector<16xf32>
        %mul3A_430 = arith.mulf %sub3A_427, %mul3A_429 : vector<16xf32>
        %jit3A_431 = arith.constant 0.000000e+00 : f32
        %jit3A_432 = arith.constant 1.000000e+00 : f32
        %max3A_433 = vector.broadcast %jit3A_431 : f32 to vector<16xf32>
        %max3A_434 = arith.maximumf %max3A_433, %mul3A_430 : vector<16xf32>
        %min3A_435 = vector.broadcast %jit3A_432 : f32 to vector<16xf32>
        %min3A_436 = arith.minimumf %min3A_435, %max3A_434 : vector<16xf32>
        %sub3A_437 = arith.constant 6.400000e+01 : f32
        %sub3A_438 = vector.broadcast %sub3A_437 : f32 to vector<16xf32>
        %sub3A_439 = arith.subf %mul3A_29, %sub3A_438 : vector<16xf32>
        %mul3A_440 = arith.constant 0.001953125 : f32
        %mul3A_441 = vector.broadcast %mul3A_440 : f32 to vector<16xf32>
        %mul3A_442 = arith.mulf %sub3A_439, %mul3A_441 : vector<16xf32>
        %jit3A_443 = arith.constant 0.000000e+00 : f32
        %jit3A_444 = arith.constant 1.000000e+00 : f32
        %max3A_445 = vector.broadcast %jit3A_443 : f32 to vector<16xf32>
        %max3A_446 = arith.maximumf %max3A_445, %mul3A_442 : vector<16xf32>
        %min3A_447 = vector.broadcast %jit3A_444 : f32 to vector<16xf32>
        %min3A_448 = arith.minimumf %min3A_447, %max3A_446 : vector<16xf32>
        %add3A_449 = arith.constant 6.400000e+01 : f32
        %add3A_450 = vector.broadcast %add3A_449 : f32 to vector<16xf32>
        %add3A_451 = arith.addf %mul3A_25, %add3A_450 : vector<16xf32>
        %mul3A_452 = arith.constant 0.001953125 : f32
        %mul3A_453 = vector.broadcast %mul3A_452 : f32 to vector<16xf32>
        %mul3A_454 = arith.mulf %add3A_451, %mul3A_453 : vector<16xf32>
        %jit3A_455 = arith.constant 0.000000e+00 : f32
        %jit3A_456 = arith.constant 1.000000e+00 : f32
        %max3A_457 = vector.broadcast %jit3A_455 : f32 to vector<16xf32>
        %max3A_458 = arith.maximumf %max3A_457, %mul3A_454 : vector<16xf32>
        %min3A_459 = vector.broadcast %jit3A_456 : f32 to vector<16xf32>
        %min3A_460 = arith.minimumf %min3A_459, %max3A_458 : vector<16xf32>
        %add3A_461 = arith.constant 6.400000e+01 : f32
        %add3A_462 = vector.broadcast %add3A_461 : f32 to vector<16xf32>
        %add3A_463 = arith.addf %mul3A_29, %add3A_462 : vector<16xf32>
        %mul3A_464 = arith.constant 0.001953125 : f32
        %mul3A_465 = vector.broadcast %mul3A_464 : f32 to vector<16xf32>
        %mul3A_466 = arith.mulf %add3A_463, %mul3A_465 : vector<16xf32>
        %jit3A_467 = arith.constant 0.000000e+00 : f32
        %jit3A_468 = arith.constant 1.000000e+00 : f32
        %max3A_469 = vector.broadcast %jit3A_467 : f32 to vector<16xf32>
        %max3A_470 = arith.maximumf %max3A_469, %mul3A_466 : vector<16xf32>
        %min3A_471 = vector.broadcast %jit3A_468 : f32 to vector<16xf32>
        %min3A_472 = arith.minimumf %min3A_471, %max3A_470 : vector<16xf32>
        %mul3A_473 = arith.constant 16 : i32
        %mul3A_474 = arith.muli %scan3A_12, %mul3A_473 : i32
        %add3A_475 = arith.constant 20480 : i32
        %add3A_476 = arith.addi %add3A_475, %mul3A_474 : i32
        %swap3A_477 = arith.index_cast %add3A_476 : i32 to index
        %swap3A_478 = tpu.vector_load %arg5[%swap3A_477] {strides = array<i32>} : memref<36864xf32, #tpu.memory_space<vmem>>, vector<16xf32>,
        %swap3A_479 = vector.shape_cast %swap3A_478 : vector<16xf32> to vector<16xf32>
        %swap3A_480 = vector.shape_cast %min3A_436 : vector<16xf32> to vector<16xf32>
        tpu.vector_store %arg5[%swap3A_477], %swap3A_480 {strides = array<i32>} : memref<36864xf32, #tpu.memory_space<vmem>>, vector<16xf32>,
        %mul3A_481 = arith.constant 16 : i32
        %mul3A_482 = arith.muli %scan3A_12, %mul3A_481 : i32
        %add3A_483 = arith.constant 21504 : i32
        %add3A_484 = arith.addi %add3A_483, %mul3A_482 : i32
        %swap3A_485 = arith.index_cast %add3A_484 : i32 to index
        %swap3A_486 = tpu.vector_load %arg5[%swap3A_485] {strides = array<i32>} : memref<36864xf32, #tpu.memory_space<vmem>>, vector<16xf32>,
        %swap3A_487 = vector.shape_cast %swap3A_486 : vector<16xf32> to vector<16xf32>
        %swap3A_488 = vector.shape_cast %min3A_448 : vector<16xf32> to vector<16xf32>
        tpu.vector_store %arg5[%swap3A_485], %swap3A_488 {strides = array<i32>} : memref<36864xf32, #tpu.memory_space<vmem>>, vector<16xf32>,
        %mul3A_489 = arith.constant 16 : i32
        %mul3A_490 = arith.muli %scan3A_12, %mul3A_489 : i32
        %add3A_491 = arith.constant 22528 : i32
        %add3A_492 = arith.addi %add3A_491, %mul3A_490 : i32
        %swap3A_493 = arith.index_cast %add3A_492 : i32 to index
        %swap3A_494 = tpu.vector_load %arg5[%swap3A_493] {strides = array<i32>} : memref<36864xf32, #tpu.memory_space<vmem>>, vector<16xf32>,
        %swap3A_495 = vector.shape_cast %swap3A_494 : vector<16xf32> to vector<16xf32>
        %swap3A_496 = vector.shape_cast %min3A_460 : vector<16xf32> to vector<16xf32>
        tpu.vector_store %arg5[%swap3A_493], %swap3A_496 {strides = array<i32>} : memref<36864xf32, #tpu.memory_space<vmem>>, vector<16xf32>,
        %mul3A_497 = arith.constant 16 : i32
        %mul3A_498 = arith.muli %scan3A_12, %mul3A_497 : i32
        %add3A_499 = arith.constant 23552 : i32
        %add3A_500 = arith.addi %add3A_499, %mul3A_498 : i32
        %swap3A_501 = arith.index_cast %add3A_500 : i32 to index
        %swap3A_502 = tpu.vector_load %arg5[%swap3A_501] {strides = array<i32>} : memref<36864xf32, #tpu.memory_space<vmem>>, vector<16xf32>,
        %swap3A_503 = vector.shape_cast %swap3A_502 : vector<16xf32> to vector<16xf32>
        %swap3A_504 = vector.shape_cast %min3A_472 : vector<16xf32> to vector<16xf32>
        tpu.vector_store %arg5[%swap3A_501], %swap3A_504 {strides = array<i32>} : memref<36864xf32, #tpu.memory_space<vmem>>, vector<16xf32>,
        %sub3A_505 = arith.constant 11.3137083 : f32
        %sub3A_506 = vector.broadcast %sub3A_505 : f32 to vector<16xf32>
        %sub3A_507 = arith.subf %mul3A_25, %sub3A_506 : vector<16xf32>
        %mul3A_508 = arith.constant 0.001953125 : f32
        %mul3A_509 = vector.broadcast %mul3A_508 : f32 to vector<16xf32>
        %mul3A_510 = arith.mulf %sub3A_507, %mul3A_509 : vector<16xf32>
        %jit3A_511 = arith.constant 0.000000e+00 : f32
        %jit3A_512 = arith.constant 1.000000e+00 : f32
        %max3A_513 = vector.broadcast %jit3A_511 : f32 to vector<16xf32>
        %max3A_514 = arith.maximumf %max3A_513, %mul3A_510 : vector<16xf32>
        %min3A_515 = vector.broadcast %jit3A_512 : f32 to vector<16xf32>
        %min3A_516 = arith.minimumf %min3A_515, %max3A_514 : vector<16xf32>
        %sub3A_517 = arith.constant 22.6274166 : f32
        %sub3A_518 = vector.broadcast %sub3A_517 : f32 to vector<16xf32>
        %sub3A_519 = arith.subf %mul3A_29, %sub3A_518 : vector<16xf32>
        %mul3A_520 = arith.constant 0.001953125 : f32
        %mul3A_521 = vector.broadcast %mul3A_520 : f32 to vector<16xf32>
        %mul3A_522 = arith.mulf %sub3A_519, %mul3A_521 : vector<16xf32>
        %jit3A_523 = arith.constant 0.000000e+00 : f32
        %jit3A_524 = arith.constant 1.000000e+00 : f32
        %max3A_525 = vector.broadcast %jit3A_523 : f32 to vector<16xf32>
        %max3A_526 = arith.maximumf %max3A_525, %mul3A_522 : vector<16xf32>
        %min3A_527 = vector.broadcast %jit3A_524 : f32 to vector<16xf32>
        %min3A_528 = arith.minimumf %min3A_527, %max3A_526 : vector<16xf32>
        %add3A_529 = arith.constant 11.3137083 : f32
        %add3A_530 = vector.broadcast %add3A_529 : f32 to vector<16xf32>
        %add3A_531 = arith.addf %mul3A_25, %add3A_530 : vector<16xf32>
        %mul3A_532 = arith.constant 0.001953125 : f32
        %mul3A_533 = vector.broadcast %mul3A_532 : f32 to vector<16xf32>
        %mul3A_534 = arith.mulf %add3A_531, %mul3A_533 : vector<16xf32>
        %jit3A_535 = arith.constant 0.000000e+00 : f32
        %jit3A_536 = arith.constant 1.000000e+00 : f32
        %max3A_537 = vector.broadcast %jit3A_535 : f32 to vector<16xf32>
        %max3A_538 = arith.maximumf %max3A_537, %mul3A_534 : vector<16xf32>
        %min3A_539 = vector.broadcast %jit3A_536 : f32 to vector<16xf32>
        %min3A_540 = arith.minimumf %min3A_539, %max3A_538 : vector<16xf32>
        %add3A_541 = arith.constant 22.6274166 : f32
        %add3A_542 = vector.broadcast %add3A_541 : f32 to vector<16xf32>
        %add3A_543 = arith.addf %mul3A_29, %add3A_542 : vector<16xf32>
        %mul3A_544 = arith.constant 0.001953125 : f32
        %mul3A_545 = vector.broadcast %mul3A_544 : f32 to vector<16xf32>
        %mul3A_546 = arith.mulf %add3A_543, %mul3A_545 : vector<16xf32>
        %jit3A_547 = arith.constant 0.000000e+00 : f32
        %jit3A_548 = arith.constant 1.000000e+00 : f32
        %max3A_549 = vector.broadcast %jit3A_547 : f32 to vector<16xf32>
        %max3A_550 = arith.maximumf %max3A_549, %mul3A_546 : vector<16xf32>
        %min3A_551 = vector.broadcast %jit3A_548 : f32 to vector<16xf32>
        %min3A_552 = arith.minimumf %min3A_551, %max3A_550 : vector<16xf32>
        %mul3A_553 = arith.constant 16 : i32
        %mul3A_554 = arith.muli %scan3A_12, %mul3A_553 : i32
        %add3A_555 = arith.constant 24576 : i32
        %add3A_556 = arith.addi %add3A_555, %mul3A_554 : i32
        %swap3A_557 = arith.index_cast %add3A_556 : i32 to index
        %swap3A_558 = tpu.vector_load %arg5[%swap3A_557] {strides = array<i32>} : memref<36864xf32, #tpu.memory_space<vmem>>, vector<16xf32>,
        %swap3A_559 = vector.shape_cast %swap3A_558 : vector<16xf32> to vector<16xf32>
        %swap3A_560 = vector.shape_cast %min3A_516 : vector<16xf32> to vector<16xf32>
        tpu.vector_store %arg5[%swap3A_557], %swap3A_560 {strides = array<i32>} : memref<36864xf32, #tpu.memory_space<vmem>>, vector<16xf32>,
        %mul3A_561 = arith.constant 16 : i32
        %mul3A_562 = arith.muli %scan3A_12, %mul3A_561 : i32
        %add3A_563 = arith.constant 25600 : i32
        %add3A_564 = arith.addi %add3A_563, %mul3A_562 : i32
        %swap3A_565 = arith.index_cast %add3A_564 : i32 to index
        %swap3A_566 = tpu.vector_load %arg5[%swap3A_565] {strides = array<i32>} : memref<36864xf32, #tpu.memory_space<vmem>>, vector<16xf32>,
        %swap3A_567 = vector.shape_cast %swap3A_566 : vector<16xf32> to vector<16xf32>
        %swap3A_568 = vector.shape_cast %min3A_528 : vector<16xf32> to vector<16xf32>
        tpu.vector_store %arg5[%swap3A_565], %swap3A_568 {strides = array<i32>} : memref<36864xf32, #tpu.memory_space<vmem>>, vector<16xf32>,
        %mul3A_569 = arith.constant 16 : i32
        %mul3A_570 = arith.muli %scan3A_12, %mul3A_569 : i32
        %add3A_571 = arith.constant 26624 : i32
        %add3A_572 = arith.addi %add3A_571, %mul3A_570 : i32
        %swap3A_573 = arith.index_cast %add3A_572 : i32 to index
        %swap3A_574 = tpu.vector_load %arg5[%swap3A_573] {strides = array<i32>} : memref<36864xf32, #tpu.memory_space<vmem>>, vector<16xf32>,
        %swap3A_575 = vector.shape_cast %swap3A_574 : vector<16xf32> to vector<16xf32>
        %swap3A_576 = vector.shape_cast %min3A_540 : vector<16xf32> to vector<16xf32>
        tpu.vector_store %arg5[%swap3A_573], %swap3A_576 {strides = array<i32>} : memref<36864xf32, #tpu.memory_space<vmem>>, vector<16xf32>,
        %mul3A_577 = arith.constant 16 : i32
        %mul3A_578 = arith.muli %scan3A_12, %mul3A_577 : i32
        %add3A_579 = arith.constant 27648 : i32
        %add3A_580 = arith.addi %add3A_579, %mul3A_578 : i32
        %swap3A_581 = arith.index_cast %add3A_580 : i32 to index
        %swap3A_582 = tpu.vector_load %arg5[%swap3A_581] {strides = array<i32>} : memref<36864xf32, #tpu.memory_space<vmem>>, vector<16xf32>,
        %swap3A_583 = vector.shape_cast %swap3A_582 : vector<16xf32> to vector<16xf32>
        %swap3A_584 = vector.shape_cast %min3A_552 : vector<16xf32> to vector<16xf32>
        tpu.vector_store %arg5[%swap3A_581], %swap3A_584 {strides = array<i32>} : memref<36864xf32, #tpu.memory_space<vmem>>, vector<16xf32>,
        %sub3A_585 = arith.constant 22.6274166 : f32
        %sub3A_586 = vector.broadcast %sub3A_585 : f32 to vector<16xf32>
        %sub3A_587 = arith.subf %mul3A_25, %sub3A_586 : vector<16xf32>
        %mul3A_588 = arith.constant 0.001953125 : f32
        %mul3A_589 = vector.broadcast %mul3A_588 : f32 to vector<16xf32>
        %mul3A_590 = arith.mulf %sub3A_587, %mul3A_589 : vector<16xf32>
        %jit3A_591 = arith.constant 0.000000e+00 : f32
        %jit3A_592 = arith.constant 1.000000e+00 : f32
        %max3A_593 = vector.broadcast %jit3A_591 : f32 to vector<16xf32>
        %max3A_594 = arith.maximumf %max3A_593, %mul3A_590 : vector<16xf32>
        %min3A_595 = vector.broadcast %jit3A_592 : f32 to vector<16xf32>
        %min3A_596 = arith.minimumf %min3A_595, %max3A_594 : vector<16xf32>
        %sub3A_597 = arith.constant 45.2548332 : f32
        %sub3A_598 = vector.broadcast %sub3A_597 : f32 to vector<16xf32>
        %sub3A_599 = arith.subf %mul3A_29, %sub3A_598 : vector<16xf32>
        %mul3A_600 = arith.constant 0.001953125 : f32
        %mul3A_601 = vector.broadcast %mul3A_600 : f32 to vector<16xf32>
        %mul3A_602 = arith.mulf %sub3A_599, %mul3A_601 : vector<16xf32>
        %jit3A_603 = arith.constant 0.000000e+00 : f32
        %jit3A_604 = arith.constant 1.000000e+00 : f32
        %max3A_605 = vector.broadcast %jit3A_603 : f32 to vector<16xf32>
        %max3A_606 = arith.maximumf %max3A_605, %mul3A_602 : vector<16xf32>
        %min3A_607 = vector.broadcast %jit3A_604 : f32 to vector<16xf32>
        %min3A_608 = arith.minimumf %min3A_607, %max3A_606 : vector<16xf32>
        %add3A_609 = arith.constant 22.6274166 : f32
        %add3A_610 = vector.broadcast %add3A_609 : f32 to vector<16xf32>
        %add3A_611 = arith.addf %mul3A_25, %add3A_610 : vector<16xf32>
        %mul3A_612 = arith.constant 0.001953125 : f32
        %mul3A_613 = vector.broadcast %mul3A_612 : f32 to vector<16xf32>
        %mul3A_614 = arith.mulf %add3A_611, %mul3A_613 : vector<16xf32>
        %jit3A_615 = arith.constant 0.000000e+00 : f32
        %jit3A_616 = arith.constant 1.000000e+00 : f32
        %max3A_617 = vector.broadcast %jit3A_615 : f32 to vector<16xf32>
        %max3A_618 = arith.maximumf %max3A_617, %mul3A_614 : vector<16xf32>
        %min3A_619 = vector.broadcast %jit3A_616 : f32 to vector<16xf32>
        %min3A_620 = arith.minimumf %min3A_619, %max3A_618 : vector<16xf32>
        %add3A_621 = arith.constant 45.2548332 : f32
        %add3A_622 = vector.broadcast %add3A_621 : f32 to vector<16xf32>
        %add3A_623 = arith.addf %mul3A_29, %add3A_622 : vector<16xf32>
        %mul3A_624 = arith.constant 0.001953125 : f32
        %mul3A_625 = vector.broadcast %mul3A_624 : f32 to vector<16xf32>
        %mul3A_626 = arith.mulf %add3A_623, %mul3A_625 : vector<16xf32>
        %jit3A_627 = arith.constant 0.000000e+00 : f32
        %jit3A_628 = arith.constant 1.000000e+00 : f32
        %max3A_629 = vector.broadcast %jit3A_627 : f32 to vector<16xf32>
        %max3A_630 = arith.maximumf %max3A_629, %mul3A_626 : vector<16xf32>
        %min3A_631 = vector.broadcast %jit3A_628 : f32 to vector<16xf32>
        %min3A_632 = arith.minimumf %min3A_631, %max3A_630 : vector<16xf32>
        %mul3A_633 = arith.constant 16 : i32
        %mul3A_634 = arith.muli %scan3A_12, %mul3A_633 : i32
        %add3A_635 = arith.constant 28672 : i32
        %add3A_636 = arith.addi %add3A_635, %mul3A_634 : i32
        %swap3A_637 = arith.index_cast %add3A_636 : i32 to index
        %swap3A_638 = tpu.vector_load %arg5[%swap3A_637] {strides = array<i32>} : memref<36864xf32, #tpu.memory_space<vmem>>, vector<16xf32>,
        %swap3A_639 = vector.shape_cast %swap3A_638 : vector<16xf32> to vector<16xf32>
        %swap3A_640 = vector.shape_cast %min3A_596 : vector<16xf32> to vector<16xf32>
        tpu.vector_store %arg5[%swap3A_637], %swap3A_640 {strides = array<i32>} : memref<36864xf32, #tpu.memory_space<vmem>>, vector<16xf32>,
        %mul3A_641 = arith.constant 16 : i32
        %mul3A_642 = arith.muli %scan3A_12, %mul3A_641 : i32
        %add3A_643 = arith.constant 29696 : i32
        %add3A_644 = arith.addi %add3A_643, %mul3A_642 : i32
        %swap3A_645 = arith.index_cast %add3A_644 : i32 to index
        %swap3A_646 = tpu.vector_load %arg5[%swap3A_645] {strides = array<i32>} : memref<36864xf32, #tpu.memory_space<vmem>>, vector<16xf32>,
        %swap3A_647 = vector.shape_cast %swap3A_646 : vector<16xf32> to vector<16xf32>
        %swap3A_648 = vector.shape_cast %min3A_608 : vector<16xf32> to vector<16xf32>
        tpu.vector_store %arg5[%swap3A_645], %swap3A_648 {strides = array<i32>} : memref<36864xf32, #tpu.memory_space<vmem>>, vector<16xf32>,
        %mul3A_649 = arith.constant 16 : i32
        %mul3A_650 = arith.muli %scan3A_12, %mul3A_649 : i32
        %add3A_651 = arith.constant 30720 : i32
        %add3A_652 = arith.addi %add3A_651, %mul3A_650 : i32
        %swap3A_653 = arith.index_cast %add3A_652 : i32 to index
        %swap3A_654 = tpu.vector_load %arg5[%swap3A_653] {strides = array<i32>} : memref<36864xf32, #tpu.memory_space<vmem>>, vector<16xf32>,
        %swap3A_655 = vector.shape_cast %swap3A_654 : vector<16xf32> to vector<16xf32>
        %swap3A_656 = vector.shape_cast %min3A_620 : vector<16xf32> to vector<16xf32>
        tpu.vector_store %arg5[%swap3A_653], %swap3A_656 {strides = array<i32>} : memref<36864xf32, #tpu.memory_space<vmem>>, vector<16xf32>,
        %mul3A_657 = arith.constant 16 : i32
        %mul3A_658 = arith.muli %scan3A_12, %mul3A_657 : i32
        %add3A_659 = arith.constant 31744 : i32
        %add3A_660 = arith.addi %add3A_659, %mul3A_658 : i32
        %swap3A_661 = arith.index_cast %add3A_660 : i32 to index
        %swap3A_662 = tpu.vector_load %arg5[%swap3A_661] {strides = array<i32>} : memref<36864xf32, #tpu.memory_space<vmem>>, vector<16xf32>,
        %swap3A_663 = vector.shape_cast %swap3A_662 : vector<16xf32> to vector<16xf32>
        %swap3A_664 = vector.shape_cast %min3A_632 : vector<16xf32> to vector<16xf32>
        tpu.vector_store %arg5[%swap3A_661], %swap3A_664 {strides = array<i32>} : memref<36864xf32, #tpu.memory_space<vmem>>, vector<16xf32>,
        %sub3A_665 = arith.constant 45.2548332 : f32
        %sub3A_666 = vector.broadcast %sub3A_665 : f32 to vector<16xf32>
        %sub3A_667 = arith.subf %mul3A_25, %sub3A_666 : vector<16xf32>
        %mul3A_668 = arith.constant 0.001953125 : f32
        %mul3A_669 = vector.broadcast %mul3A_668 : f32 to vector<16xf32>
        %mul3A_670 = arith.mulf %sub3A_667, %mul3A_669 : vector<16xf32>
        %jit3A_671 = arith.constant 0.000000e+00 : f32
        %jit3A_672 = arith.constant 1.000000e+00 : f32
        %max3A_673 = vector.broadcast %jit3A_671 : f32 to vector<16xf32>
        %max3A_674 = arith.maximumf %max3A_673, %mul3A_670 : vector<16xf32>
        %min3A_675 = vector.broadcast %jit3A_672 : f32 to vector<16xf32>
        %min3A_676 = arith.minimumf %min3A_675, %max3A_674 : vector<16xf32>
        %sub3A_677 = arith.constant 90.5096664 : f32
        %sub3A_678 = vector.broadcast %sub3A_677 : f32 to vector<16xf32>
        %sub3A_679 = arith.subf %mul3A_29, %sub3A_678 : vector<16xf32>
        %mul3A_680 = arith.constant 0.001953125 : f32
        %mul3A_681 = vector.broadcast %mul3A_680 : f32 to vector<16xf32>
        %mul3A_682 = arith.mulf %sub3A_679, %mul3A_681 : vector<16xf32>
        %jit3A_683 = arith.constant 0.000000e+00 : f32
        %jit3A_684 = arith.constant 1.000000e+00 : f32
        %max3A_685 = vector.broadcast %jit3A_683 : f32 to vector<16xf32>
        %max3A_686 = arith.maximumf %max3A_685, %mul3A_682 : vector<16xf32>
        %min3A_687 = vector.broadcast %jit3A_684 : f32 to vector<16xf32>
        %min3A_688 = arith.minimumf %min3A_687, %max3A_686 : vector<16xf32>
        %add3A_689 = arith.constant 45.2548332 : f32
        %add3A_690 = vector.broadcast %add3A_689 : f32 to vector<16xf32>
        %add3A_691 = arith.addf %mul3A_25, %add3A_690 : vector<16xf32>
        %mul3A_692 = arith.constant 0.001953125 : f32
        %mul3A_693 = vector.broadcast %mul3A_692 : f32 to vector<16xf32>
        %mul3A_694 = arith.mulf %add3A_691, %mul3A_693 : vector<16xf32>
        %jit3A_695 = arith.constant 0.000000e+00 : f32
        %jit3A_696 = arith.constant 1.000000e+00 : f32
        %max3A_697 = vector.broadcast %jit3A_695 : f32 to vector<16xf32>
        %max3A_698 = arith.maximumf %max3A_697, %mul3A_694 : vector<16xf32>
        %min3A_699 = vector.broadcast %jit3A_696 : f32 to vector<16xf32>
        %min3A_700 = arith.minimumf %min3A_699, %max3A_698 : vector<16xf32>
        %add3A_701 = arith.constant 90.5096664 : f32
        %add3A_702 = vector.broadcast %add3A_701 : f32 to vector<16xf32>
        %add3A_703 = arith.addf %mul3A_29, %add3A_702 : vector<16xf32>
        %mul3A_704 = arith.constant 0.001953125 : f32
        %mul3A_705 = vector.broadcast %mul3A_704 : f32 to vector<16xf32>
        %mul3A_706 = arith.mulf %add3A_703, %mul3A_705 : vector<16xf32>
        %jit3A_707 = arith.constant 0.000000e+00 : f32
        %jit3A_708 = arith.constant 1.000000e+00 : f32
        %max3A_709 = vector.broadcast %jit3A_707 : f32 to vector<16xf32>
        %max3A_710 = arith.maximumf %max3A_709, %mul3A_706 : vector<16xf32>
        %min3A_711 = vector.broadcast %jit3A_708 : f32 to vector<16xf32>
        %min3A_712 = arith.minimumf %min3A_711, %max3A_710 : vector<16xf32>
        %mul3A_713 = arith.constant 16 : i32
        %mul3A_714 = arith.muli %scan3A_12, %mul3A_713 : i32
        %add3A_715 = arith.constant 32768 : i32
        %add3A_716 = arith.addi %add3A_715, %mul3A_714 : i32
        %swap3A_717 = arith.index_cast %add3A_716 : i32 to index
        %swap3A_718 = tpu.vector_load %arg5[%swap3A_717] {strides = array<i32>} : memref<36864xf32, #tpu.memory_space<vmem>>, vector<16xf32>,
        %swap3A_719 = vector.shape_cast %swap3A_718 : vector<16xf32> to vector<16xf32>
        %swap3A_720 = vector.shape_cast %min3A_676 : vector<16xf32> to vector<16xf32>
        tpu.vector_store %arg5[%swap3A_717], %swap3A_720 {strides = array<i32>} : memref<36864xf32, #tpu.memory_space<vmem>>, vector<16xf32>,
        %mul3A_721 = arith.constant 16 : i32
        %mul3A_722 = arith.muli %scan3A_12, %mul3A_721 : i32
        %add3A_723 = arith.constant 33792 : i32
        %add3A_724 = arith.addi %add3A_723, %mul3A_722 : i32
        %swap3A_725 = arith.index_cast %add3A_724 : i32 to index
        %swap3A_726 = tpu.vector_load %arg5[%swap3A_725] {strides = array<i32>} : memref<36864xf32, #tpu.memory_space<vmem>>, vector<16xf32>,
        %swap3A_727 = vector.shape_cast %swap3A_726 : vector<16xf32> to vector<16xf32>
        %swap3A_728 = vector.shape_cast %min3A_688 : vector<16xf32> to vector<16xf32>
        tpu.vector_store %arg5[%swap3A_725], %swap3A_728 {strides = array<i32>} : memref<36864xf32, #tpu.memory_space<vmem>>, vector<16xf32>,
        %mul3A_729 = arith.constant 16 : i32
        %mul3A_730 = arith.muli %scan3A_12, %mul3A_729 : i32
        %add3A_731 = arith.constant 34816 : i32
        %add3A_732 = arith.addi %add3A_731, %mul3A_730 : i32
        %swap3A_733 = arith.index_cast %add3A_732 : i32 to index
        %swap3A_734 = tpu.vector_load %arg5[%swap3A_733] {strides = array<i32>} : memref<36864xf32, #tpu.memory_space<vmem>>, vector<16xf32>,
        %swap3A_735 = vector.shape_cast %swap3A_734 : vector<16xf32> to vector<16xf32>
        %swap3A_736 = vector.shape_cast %min3A_700 : vector<16xf32> to vector<16xf32>
        tpu.vector_store %arg5[%swap3A_733], %swap3A_736 {strides = array<i32>} : memref<36864xf32, #tpu.memory_space<vmem>>, vector<16xf32>,
        %mul3A_737 = arith.constant 16 : i32
        %mul3A_738 = arith.muli %scan3A_12, %mul3A_737 : i32
        %add3A_739 = arith.constant 35840 : i32
        %add3A_740 = arith.addi %add3A_739, %mul3A_738 : i32
        %swap3A_741 = arith.index_cast %add3A_740 : i32 to index
        %swap3A_742 = tpu.vector_load %arg5[%swap3A_741] {strides = array<i32>} : memref<36864xf32, #tpu.memory_space<vmem>>, vector<16xf32>,
        %swap3A_743 = vector.shape_cast %swap3A_742 : vector<16xf32> to vector<16xf32>
        %swap3A_744 = vector.shape_cast %min3A_712 : vector<16xf32> to vector<16xf32>
        tpu.vector_store %arg5[%swap3A_741], %swap3A_744 {strides = array<i32>} : memref<36864xf32, #tpu.memory_space<vmem>>, vector<16xf32>,
      }
      %scan3A_9 = arith.constant 64 : i32
      %mul3A_10 = arith.constant 36864 : i32
      %mul3A_11 = arith.muli %add3A, %mul3A_10 : i32
      "tpu.region"() ({
        %run_scoped3A = tpu.sem_alloc : memref<!tpu.dma_semaphore, #tpu.memory_space<semaphore_mem>>
        %dma_start3A = tpu.memref_slice %arg3[%mul3A_11] : memref<147456xf32, #tpu.memory_space<hbm>> -> memref<36864xf32, #tpu.memory_space<hbm>>
        %dma_start3A_12 = tpu.memref_slice %arg3[%mul3A_11] : memref<147456xf32, #tpu.memory_space<hbm>> -> memref<36864xf32, #tpu.memory_space<hbm>>
        tpu.enqueue_dma source(%arg5 : memref<36864xf32, #tpu.memory_space<vmem>>) target(%dma_start3A_12 : memref<36864xf32, #tpu.memory_space<hbm>>) target_semaphore(%run_scoped3A : memref<!tpu.dma_semaphore, #tpu.memory_space<semaphore_mem>>)
        %dma_wait3A = tpu.memref_slice %arg3[%mul3A_11] : memref<147456xf32, #tpu.memory_space<hbm>> -> memref<36864xf32, #tpu.memory_space<hbm>>
        %dma_wait3A_13 = tpu.memref_slice %arg3[%mul3A_11] : memref<147456xf32, #tpu.memory_space<hbm>> -> memref<36864xf32, #tpu.memory_space<hbm>>
        tpu.wait_dma2 semaphore(%run_scoped3A : memref<!tpu.dma_semaphore, #tpu.memory_space<semaphore_mem>>) src(%arg5 : memref<36864xf32, #tpu.memory_space<vmem>>) dst(%dma_wait3A_13 : memref<36864xf32, #tpu.memory_space<hbm>>)
        tpu.yield
      }) : () -> ()
    } else {
    }
    return
  }
}

module attributes {stable_mosaic.version = 14 : i64} {
  func.func @_tr_body(%arg0: i32, %arg1: memref<1x36x1024xf32, #tpu.memory_space<vmem>>, %arg2: memref<1x1024x36xf32, #tpu.memory_space<vmem>>) attributes {dimension_semantics = [#tpu.dimension_semantics<arbitrary>], iteration_bounds = array<i64: 4>, scalar_prefetch = 0 : i64, scratch_operands = 0 : i64, tpu.core_type = #tpu.core_type<tc>, window_params = [{transform_indices = @transform_0, window_bounds = array<i64: 1, 36, 1024>}, {transform_indices = @transform_1, window_bounds = array<i64: 1, 1024, 36>}]} {
    %get3A = arith.constant 0 : index
    %get3A_0 = arith.constant 0 : index
    %get3A_1 = arith.constant 0 : index
    %get3A_2 = vector.load %arg1[%get3A, %get3A_0, %get3A_1] : memref<1x36x1024xf32, #tpu.memory_space<vmem>>, vector<1x36x1024xf32>
    %get3A_3 = vector.shape_cast %get3A_2 : vector<1x36x1024xf32> to vector<36x1024xf32>
    %transpose3A = tpu.transpose %get3A_3, [1, 0] : vector<36x1024xf32> -> vector<1024x36xf32>
    %swap3A = arith.constant 0 : index
    %swap3A_4 = arith.constant 0 : index
    %swap3A_5 = arith.constant 0 : index
    %swap3A_6 = vector.load %arg2[%swap3A, %swap3A_4, %swap3A_5] : memref<1x1024x36xf32, #tpu.memory_space<vmem>>, vector<1x1024x36xf32>
    %swap3A_7 = vector.shape_cast %swap3A_6 : vector<1x1024x36xf32> to vector<1024x36xf32>
    %swap3A_8 = vector.shape_cast %transpose3A : vector<1024x36xf32> to vector<1x1024x36xf32>
    tpu.vector_store %arg2[%swap3A, %swap3A_4, %swap3A_5], %swap3A_8 {strides = array<i32>} : memref<1x1024x36xf32, #tpu.memory_space<vmem>>, vector<1x1024x36xf32>,
    return
  }
  func.func @transform_0(%arg0: i32) -> (i32, i32, i32) {
    %c0_i32 = arith.constant 0 : i32
    %c0_i32_0 = arith.constant 0 : i32
    %c0_i32_1 = arith.constant 0 : i32
    return %arg0, %c0_i32, %c0_i32_0 : i32, i32, i32
  }
  func.func @transform_1(%arg0: i32) -> (i32, i32, i32) {
    %c0_i32 = arith.constant 0 : i32
    %c0_i32_0 = arith.constant 0 : i32
    %c0_i32_1 = arith.constant 0 : i32
    return %arg0, %c0_i32, %c0_i32_0 : i32, i32, i32
  }
}

module attributes {stable_mosaic.version = 14 : i64} {
  func.func @_sel_body(%arg0: i32, %arg1: memref<1x384x4096xf32, #tpu.memory_space<vmem>>, %arg2: memref<1x8x128xf32, #tpu.memory_space<vmem>>) attributes {dimension_semantics = [#tpu.dimension_semantics<arbitrary>], iteration_bounds = array<i64: 4>, scalar_prefetch = 0 : i64, scratch_operands = 0 : i64, tpu.core_type = #tpu.core_type<tc>, window_params = [{transform_indices = @transform_0, window_bounds = array<i64: 1, 384, 4096>}, {transform_indices = @transform_1, window_bounds = array<i64: 1, 8, 128>}]} {
    %get3A = arith.constant 0 : index
    %get3A_0 = arith.constant 0 : index
    %get3A_1 = arith.constant 0 : index
    %get3A_2 = vector.load %arg1[%get3A, %get3A_0, %get3A_1] : memref<1x384x4096xf32, #tpu.memory_space<vmem>>, vector<1x384x4096xf32>
    %get3A_3 = vector.shape_cast %get3A_2 : vector<1x384x4096xf32> to vector<384x4096xf32>
    %reduce_sum3A = arith.constant dense<0.000000e+00> : vector<384xf32>
    %reduce_sum3A_4 = vector.multi_reduction <add>, %get3A_3, %reduce_sum3A [1] : vector<384x4096xf32> to vector<384xf32>
    %broadcast_in_dim3A = vector.shape_cast %reduce_sum3A_4 : vector<384xf32> to vector<384x1xf32>
    %div3A = arith.constant 4.096000e+03 : f32
    %div3A_5 = vector.broadcast %div3A : f32 to vector<384x1xf32>
    %div3A_6 = arith.divf %broadcast_in_dim3A, %div3A_5 : vector<384x1xf32>
    %sub3A = vector.broadcast %div3A_6 : vector<384x1xf32> to vector<384x4096xf32>
    %sub3A_7 = arith.subf %get3A_3, %sub3A : vector<384x4096xf32>
    %abs3A = math.absf %sub3A_7 : vector<384x4096xf32>
    %reduce_sum3A_8 = arith.constant dense<0.000000e+00> : vector<4096xf32>
    %reduce_sum3A_9 = vector.multi_reduction <add>, %abs3A, %reduce_sum3A_8 [0] : vector<384x4096xf32> to vector<4096xf32>
    %broadcast_in_dim3A_10 = vector.shape_cast %reduce_sum3A_9 : vector<4096xf32> to vector<1x4096xf32>
    %bitcast_convert_type3A = tpu.bitcast %broadcast_in_dim3A_10 : vector<1x4096xf32> -> vector<1x4096xi32>
    %scan3A = arith.constant 0 : i32
    %scan3A_11 = arith.constant 0 : i32
    %scan3A_12 = arith.constant 31 : i32
    %scan3A_13 = arith.addi %scan3A_11, %scan3A_12 : i32
    %scan3A_14 = arith.constant 1 : i32
    %scan3A_15 = scf.for %scan3A_485 = %scan3A_11 to %scan3A_13 step %scan3A_14 iter_args(%scan3A_486 = %scan3A) -> (i32)  : i32 {
      %sub3A_487 = arith.constant 30 : i32
      %sub3A_488 = arith.subi %sub3A_487, %scan3A_485 : i32
      %shift_left3A = arith.constant 1 : i32
      %shift_left3A_489 = arith.shli %shift_left3A, %sub3A_488 : i32
      %or3A = arith.ori %scan3A_486, %shift_left3A_489 : i32
      %ge3A_490 = vector.broadcast %or3A : i32 to vector<1x4096xi32>
      %ge3A_491 = arith.cmpi sge, %bitcast_convert_type3A, %ge3A_490 : vector<1x4096xi32>
      %convert_element_type3A_492 = arith.extui %ge3A_491 : vector<1x4096xi1> to vector<1x4096xi32>
      %reduce_sum3A_493 = vector.shape_cast %convert_element_type3A_492 : vector<1x4096xi32> to vector<1x1x4096xi32>
      %reduce_sum3A_494 = arith.constant dense<0> : vector<1xi32>
      %reduce_sum3A_495 = vector.multi_reduction <add>, %reduce_sum3A_493, %reduce_sum3A_494 [1, 2] : vector<1x1x4096xi32> to vector<1xi32>
      %reduce_sum3A_496 = vector.shape_cast %reduce_sum3A_495 : vector<1xi32> to vector<1x1x1xi32>
      %reduce_sum3A_497 = vector.extract %reduce_sum3A_496[0, 0, 0] : i32 from vector<1x1x1xi32>
      %ge3A_498 = arith.constant 1024 : i32
      %ge3A_499 = arith.cmpi sge, %reduce_sum3A_497, %ge3A_498 : i32
      %select_n3A_500 = arith.select %ge3A_499, %or3A, %scan3A_486 : i32
      scf.yield %select_n3A_500 : i32
    }
    %scan3A_16 = arith.constant 31 : i32
    %bitcast_convert_type3A_17 = arith.bitcast %scan3A_15 : i32 to f32
    %ge3A = vector.broadcast %bitcast_convert_type3A_17 : f32 to vector<1x4096xf32>
    %ge3A_18 = arith.cmpf oge, %broadcast_in_dim3A_10, %ge3A : vector<1x4096xf32>
    %convert_element_type3A = arith.extui %ge3A_18 : vector<1x4096xi1> to vector<1x4096xi32>
    %convert_element_type3A_19 = arith.sitofp %convert_element_type3A : vector<1x4096xi32> to vector<1x4096xf32>
    %iota3A = tpu.iota {dimensions = array<i32: 0>} : vector<128x128xi32>
    %iota3A_20 = tpu.iota {dimensions = array<i32: 1>} : vector<128x128xi32>
    %le3A = arith.cmpi sle, %iota3A, %iota3A_20 : vector<128x128xi32>
    %convert_element_type3A_21 = arith.extui %le3A : vector<128x128xi1> to vector<128x128xi32>
    %convert_element_type3A_22 = arith.sitofp %convert_element_type3A_21 : vector<128x128xi32> to vector<128x128xf32>
    %broadcast_in_dim3A_23 = arith.constant 0.000000e+00 : f32
    %broadcast_in_dim3A_24 = vector.broadcast %broadcast_in_dim3A_23 : f32 to vector<1x1xf32>
    %slice3A = vector.extract_strided_slice %convert_element_type3A_19 {offsets = [0, 0], sizes = [1, 128], strides = [1, 1]} : vector<1x4096xf32> to vector<1x128xf32>
    %dot_general3A = arith.constant dense<0.000000e+00> : vector<1x128xf32>
    %dot_general3A_25 = tpu.matmul %slice3A, %convert_element_type3A_22, %dot_general3A {dimension_numbers = #tpu.dot_dimension_numbers<[1], [0], [0], [1], [0, 0, 1, 1], [], []>, transpose_lhs_hint = false} : vector<1x128xf32>, vector<128x128xf32>, vector<1x128xf32> -> vector<1x128xf32>
    %add3A = vector.broadcast %broadcast_in_dim3A_24 : vector<1x1xf32> to vector<1x128xf32>
    %add3A_26 = arith.addf %dot_general3A_25, %add3A : vector<1x128xf32>
    %slice3A_27 = vector.extract_strided_slice %dot_general3A_25 {offsets = [0, 127], sizes = [1, 1], strides = [1, 1]} : vector<1x128xf32> to vector<1x1xf32>
    %add3A_28 = arith.addf %broadcast_in_dim3A_24, %slice3A_27 : vector<1x1xf32>
    %slice3A_29 = vector.extract_strided_slice %convert_element_type3A_19 {offsets = [0, 128], sizes = [1, 128], strides = [1, 1]} : vector<1x4096xf32> to vector<1x128xf32>
    %dot_general3A_30 = arith.constant dense<0.000000e+00> : vector<1x128xf32>
    %dot_general3A_31 = tpu.matmul %slice3A_29, %convert_element_type3A_22, %dot_general3A_30 {dimension_numbers = #tpu.dot_dimension_numbers<[1], [0], [0], [1], [0, 0, 1, 1], [], []>, transpose_lhs_hint = false} : vector<1x128xf32>, vector<128x128xf32>, vector<1x128xf32> -> vector<1x128xf32>
    %add3A_32 = vector.broadcast %add3A_28 : vector<1x1xf32> to vector<1x128xf32>
    %add3A_33 = arith.addf %dot_general3A_31, %add3A_32 : vector<1x128xf32>
    %slice3A_34 = vector.extract_strided_slice %dot_general3A_31 {offsets = [0, 127], sizes = [1, 1], strides = [1, 1]} : vector<1x128xf32> to vector<1x1xf32>
    %add3A_35 = arith.addf %add3A_28, %slice3A_34 : vector<1x1xf32>
    %slice3A_36 = vector.extract_strided_slice %convert_element_type3A_19 {offsets = [0, 256], sizes = [1, 128], strides = [1, 1]} : vector<1x4096xf32> to vector<1x128xf32>
    %dot_general3A_37 = arith.constant dense<0.000000e+00> : vector<1x128xf32>
    %dot_general3A_38 = tpu.matmul %slice3A_36, %convert_element_type3A_22, %dot_general3A_37 {dimension_numbers = #tpu.dot_dimension_numbers<[1], [0], [0], [1], [0, 0, 1, 1], [], []>, transpose_lhs_hint = false} : vector<1x128xf32>, vector<128x128xf32>, vector<1x128xf32> -> vector<1x128xf32>
    %add3A_39 = vector.broadcast %add3A_35 : vector<1x1xf32> to vector<1x128xf32>
    %add3A_40 = arith.addf %dot_general3A_38, %add3A_39 : vector<1x128xf32>
    %slice3A_41 = vector.extract_strided_slice %dot_general3A_38 {offsets = [0, 127], sizes = [1, 1], strides = [1, 1]} : vector<1x128xf32> to vector<1x1xf32>
    %add3A_42 = arith.addf %add3A_35, %slice3A_41 : vector<1x1xf32>
    %slice3A_43 = vector.extract_strided_slice %convert_element_type3A_19 {offsets = [0, 384], sizes = [1, 128], strides = [1, 1]} : vector<1x4096xf32> to vector<1x128xf32>
    %dot_general3A_44 = arith.constant dense<0.000000e+00> : vector<1x128xf32>
    %dot_general3A_45 = tpu.matmul %slice3A_43, %convert_element_type3A_22, %dot_general3A_44 {dimension_numbers = #tpu.dot_dimension_numbers<[1], [0], [0], [1], [0, 0, 1, 1], [], []>, transpose_lhs_hint = false} : vector<1x128xf32>, vector<128x128xf32>, vector<1x128xf32> -> vector<1x128xf32>
    %add3A_46 = vector.broadcast %add3A_42 : vector<1x1xf32> to vector<1x128xf32>
    %add3A_47 = arith.addf %dot_general3A_45, %add3A_46 : vector<1x128xf32>
    %slice3A_48 = vector.extract_strided_slice %dot_general3A_45 {offsets = [0, 127], sizes = [1, 1], strides = [1, 1]} : vector<1x128xf32> to vector<1x1xf32>
    %add3A_49 = arith.addf %add3A_42, %slice3A_48 : vector<1x1xf32>
    %slice3A_50 = vector.extract_strided_slice %convert_element_type3A_19 {offsets = [0, 512], sizes = [1, 128], strides = [1, 1]} : vector<1x4096xf32> to vector<1x128xf32>
    %dot_general3A_51 = arith.constant dense<0.000000e+00> : vector<1x128xf32>
    %dot_general3A_52 = tpu.matmul %slice3A_50, %convert_element_type3A_22, %dot_general3A_51 {dimension_numbers = #tpu.dot_dimension_numbers<[1], [0], [0], [1], [0, 0, 1, 1], [], []>, transpose_lhs_hint = false} : vector<1x128xf32>, vector<128x128xf32>, vector<1x128xf32> -> vector<1x128xf32>
    %add3A_53 = vector.broadcast %add3A_49 : vector<1x1xf32> to vector<1x128xf32>
    %add3A_54 = arith.addf %dot_general3A_52, %add3A_53 : vector<1x128xf32>
    %slice3A_55 = vector.extract_strided_slice %dot_general3A_52 {offsets = [0, 127], sizes = [1, 1], strides = [1, 1]} : vector<1x128xf32> to vector<1x1xf32>
    %add3A_56 = arith.addf %add3A_49, %slice3A_55 : vector<1x1xf32>
    %slice3A_57 = vector.extract_strided_slice %convert_element_type3A_19 {offsets = [0, 640], sizes = [1, 128], strides = [1, 1]} : vector<1x4096xf32> to vector<1x128xf32>
    %dot_general3A_58 = arith.constant dense<0.000000e+00> : vector<1x128xf32>
    %dot_general3A_59 = tpu.matmul %slice3A_57, %convert_element_type3A_22, %dot_general3A_58 {dimension_numbers = #tpu.dot_dimension_numbers<[1], [0], [0], [1], [0, 0, 1, 1], [], []>, transpose_lhs_hint = false} : vector<1x128xf32>, vector<128x128xf32>, vector<1x128xf32> -> vector<1x128xf32>
    %add3A_60 = vector.broadcast %add3A_56 : vector<1x1xf32> to vector<1x128xf32>
    %add3A_61 = arith.addf %dot_general3A_59, %add3A_60 : vector<1x128xf32>
    %slice3A_62 = vector.extract_strided_slice %dot_general3A_59 {offsets = [0, 127], sizes = [1, 1], strides = [1, 1]} : vector<1x128xf32> to vector<1x1xf32>
    %add3A_63 = arith.addf %add3A_56, %slice3A_62 : vector<1x1xf32>
    %slice3A_64 = vector.extract_strided_slice %convert_element_type3A_19 {offsets = [0, 768], sizes = [1, 128], strides = [1, 1]} : vector<1x4096xf32> to vector<1x128xf32>
    %dot_general3A_65 = arith.constant dense<0.000000e+00> : vector<1x128xf32>
    %dot_general3A_66 = tpu.matmul %slice3A_64, %convert_element_type3A_22, %dot_general3A_65 {dimension_numbers = #tpu.dot_dimension_numbers<[1], [0], [0], [1], [0, 0, 1, 1], [], []>, transpose_lhs_hint = false} : vector<1x128xf32>, vector<128x128xf32>, vector<1x128xf32> -> vector<1x128xf32>
    %add3A_67 = vector.broadcast %add3A_63 : vector<1x1xf32> to vector<1x128xf32>
    %add3A_68 = arith.addf %dot_general3A_66, %add3A_67 : vector<1x128xf32>
    %slice3A_69 = vector.extract_strided_slice %dot_general3A_66 {offsets = [0, 127], sizes = [1, 1], strides = [1, 1]} : vector<1x128xf32> to vector<1x1xf32>
    %add3A_70 = arith.addf %add3A_63, %slice3A_69 : vector<1x1xf32>
    %slice3A_71 = vector.extract_strided_slice %convert_element_type3A_19 {offsets = [0, 896], sizes = [1, 128], strides = [1, 1]} : vector<1x4096xf32> to vector<1x128xf32>
    %dot_general3A_72 = arith.constant dense<0.000000e+00> : vector<1x128xf32>
    %dot_general3A_73 = tpu.matmul %slice3A_71, %convert_element_type3A_22, %dot_general3A_72 {dimension_numbers = #tpu.dot_dimension_numbers<[1], [0], [0], [1], [0, 0, 1, 1], [], []>, transpose_lhs_hint = false} : vector<1x128xf32>, vector<128x128xf32>, vector<1x128xf32> -> vector<1x128xf32>
    %add3A_74 = vector.broadcast %add3A_70 : vector<1x1xf32> to vector<1x128xf32>
    %add3A_75 = arith.addf %dot_general3A_73, %add3A_74 : vector<1x128xf32>
    %slice3A_76 = vector.extract_strided_slice %dot_general3A_73 {offsets = [0, 127], sizes = [1, 1], strides = [1, 1]} : vector<1x128xf32> to vector<1x1xf32>
    %add3A_77 = arith.addf %add3A_70, %slice3A_76 : vector<1x1xf32>
    %slice3A_78 = vector.extract_strided_slice %convert_element_type3A_19 {offsets = [0, 1024], sizes = [1, 128], strides = [1, 1]} : vector<1x4096xf32> to vector<1x128xf32>
    %dot_general3A_79 = arith.constant dense<0.000000e+00> : vector<1x128xf32>
    %dot_general3A_80 = tpu.matmul %slice3A_78, %convert_element_type3A_22, %dot_general3A_79 {dimension_numbers = #tpu.dot_dimension_numbers<[1], [0], [0], [1], [0, 0, 1, 1], [], []>, transpose_lhs_hint = false} : vector<1x128xf32>, vector<128x128xf32>, vector<1x128xf32> -> vector<1x128xf32>
    %add3A_81 = vector.broadcast %add3A_77 : vector<1x1xf32> to vector<1x128xf32>
    %add3A_82 = arith.addf %dot_general3A_80, %add3A_81 : vector<1x128xf32>
    %slice3A_83 = vector.extract_strided_slice %dot_general3A_80 {offsets = [0, 127], sizes = [1, 1], strides = [1, 1]} : vector<1x128xf32> to vector<1x1xf32>
    %add3A_84 = arith.addf %add3A_77, %slice3A_83 : vector<1x1xf32>
    %slice3A_85 = vector.extract_strided_slice %convert_element_type3A_19 {offsets = [0, 1152], sizes = [1, 128], strides = [1, 1]} : vector<1x4096xf32> to vector<1x128xf32>
    %dot_general3A_86 = arith.constant dense<0.000000e+00> : vector<1x128xf32>
    %dot_general3A_87 = tpu.matmul %slice3A_85, %convert_element_type3A_22, %dot_general3A_86 {dimension_numbers = #tpu.dot_dimension_numbers<[1], [0], [0], [1], [0, 0, 1, 1], [], []>, transpose_lhs_hint = false} : vector<1x128xf32>, vector<128x128xf32>, vector<1x128xf32> -> vector<1x128xf32>
    %add3A_88 = vector.broadcast %add3A_84 : vector<1x1xf32> to vector<1x128xf32>
    %add3A_89 = arith.addf %dot_general3A_87, %add3A_88 : vector<1x128xf32>
    %slice3A_90 = vector.extract_strided_slice %dot_general3A_87 {offsets = [0, 127], sizes = [1, 1], strides = [1, 1]} : vector<1x128xf32> to vector<1x1xf32>
    %add3A_91 = arith.addf %add3A_84, %slice3A_90 : vector<1x1xf32>
    %slice3A_92 = vector.extract_strided_slice %convert_element_type3A_19 {offsets = [0, 1280], sizes = [1, 128], strides = [1, 1]} : vector<1x4096xf32> to vector<1x128xf32>
    %dot_general3A_93 = arith.constant dense<0.000000e+00> : vector<1x128xf32>
    %dot_general3A_94 = tpu.matmul %slice3A_92, %convert_element_type3A_22, %dot_general3A_93 {dimension_numbers = #tpu.dot_dimension_numbers<[1], [0], [0], [1], [0, 0, 1, 1], [], []>, transpose_lhs_hint = false} : vector<1x128xf32>, vector<128x128xf32>, vector<1x128xf32> -> vector<1x128xf32>
    %add3A_95 = vector.broadcast %add3A_91 : vector<1x1xf32> to vector<1x128xf32>
    %add3A_96 = arith.addf %dot_general3A_94, %add3A_95 : vector<1x128xf32>
    %slice3A_97 = vector.extract_strided_slice %dot_general3A_94 {offsets = [0, 127], sizes = [1, 1], strides = [1, 1]} : vector<1x128xf32> to vector<1x1xf32>
    %add3A_98 = arith.addf %add3A_91, %slice3A_97 : vector<1x1xf32>
    %slice3A_99 = vector.extract_strided_slice %convert_element_type3A_19 {offsets = [0, 1408], sizes = [1, 128], strides = [1, 1]} : vector<1x4096xf32> to vector<1x128xf32>
    %dot_general3A_100 = arith.constant dense<0.000000e+00> : vector<1x128xf32>
    %dot_general3A_101 = tpu.matmul %slice3A_99, %convert_element_type3A_22, %dot_general3A_100 {dimension_numbers = #tpu.dot_dimension_numbers<[1], [0], [0], [1], [0, 0, 1, 1], [], []>, transpose_lhs_hint = false} : vector<1x128xf32>, vector<128x128xf32>, vector<1x128xf32> -> vector<1x128xf32>
    %add3A_102 = vector.broadcast %add3A_98 : vector<1x1xf32> to vector<1x128xf32>
    %add3A_103 = arith.addf %dot_general3A_101, %add3A_102 : vector<1x128xf32>
    %slice3A_104 = vector.extract_strided_slice %dot_general3A_101 {offsets = [0, 127], sizes = [1, 1], strides = [1, 1]} : vector<1x128xf32> to vector<1x1xf32>
    %add3A_105 = arith.addf %add3A_98, %slice3A_104 : vector<1x1xf32>
    %slice3A_106 = vector.extract_strided_slice %convert_element_type3A_19 {offsets = [0, 1536], sizes = [1, 128], strides = [1, 1]} : vector<1x4096xf32> to vector<1x128xf32>
    %dot_general3A_107 = arith.constant dense<0.000000e+00> : vector<1x128xf32>
    %dot_general3A_108 = tpu.matmul %slice3A_106, %convert_element_type3A_22, %dot_general3A_107 {dimension_numbers = #tpu.dot_dimension_numbers<[1], [0], [0], [1], [0, 0, 1, 1], [], []>, transpose_lhs_hint = false} : vector<1x128xf32>, vector<128x128xf32>, vector<1x128xf32> -> vector<1x128xf32>
    %add3A_109 = vector.broadcast %add3A_105 : vector<1x1xf32> to vector<1x128xf32>
    %add3A_110 = arith.addf %dot_general3A_108, %add3A_109 : vector<1x128xf32>
    %slice3A_111 = vector.extract_strided_slice %dot_general3A_108 {offsets = [0, 127], sizes = [1, 1], strides = [1, 1]} : vector<1x128xf32> to vector<1x1xf32>
    %add3A_112 = arith.addf %add3A_105, %slice3A_111 : vector<1x1xf32>
    %slice3A_113 = vector.extract_strided_slice %convert_element_type3A_19 {offsets = [0, 1664], sizes = [1, 128], strides = [1, 1]} : vector<1x4096xf32> to vector<1x128xf32>
    %dot_general3A_114 = arith.constant dense<0.000000e+00> : vector<1x128xf32>
    %dot_general3A_115 = tpu.matmul %slice3A_113, %convert_element_type3A_22, %dot_general3A_114 {dimension_numbers = #tpu.dot_dimension_numbers<[1], [0], [0], [1], [0, 0, 1, 1], [], []>, transpose_lhs_hint = false} : vector<1x128xf32>, vector<128x128xf32>, vector<1x128xf32> -> vector<1x128xf32>
    %add3A_116 = vector.broadcast %add3A_112 : vector<1x1xf32> to vector<1x128xf32>
    %add3A_117 = arith.addf %dot_general3A_115, %add3A_116 : vector<1x128xf32>
    %slice3A_118 = vector.extract_strided_slice %dot_general3A_115 {offsets = [0, 127], sizes = [1, 1], strides = [1, 1]} : vector<1x128xf32> to vector<1x1xf32>
    %add3A_119 = arith.addf %add3A_112, %slice3A_118 : vector<1x1xf32>
    %slice3A_120 = vector.extract_strided_slice %convert_element_type3A_19 {offsets = [0, 1792], sizes = [1, 128], strides = [1, 1]} : vector<1x4096xf32> to vector<1x128xf32>
    %dot_general3A_121 = arith.constant dense<0.000000e+00> : vector<1x128xf32>
    %dot_general3A_122 = tpu.matmul %slice3A_120, %convert_element_type3A_22, %dot_general3A_121 {dimension_numbers = #tpu.dot_dimension_numbers<[1], [0], [0], [1], [0, 0, 1, 1], [], []>, transpose_lhs_hint = false} : vector<1x128xf32>, vector<128x128xf32>, vector<1x128xf32> -> vector<1x128xf32>
    %add3A_123 = vector.broadcast %add3A_119 : vector<1x1xf32> to vector<1x128xf32>
    %add3A_124 = arith.addf %dot_general3A_122, %add3A_123 : vector<1x128xf32>
    %slice3A_125 = vector.extract_strided_slice %dot_general3A_122 {offsets = [0, 127], sizes = [1, 1], strides = [1, 1]} : vector<1x128xf32> to vector<1x1xf32>
    %add3A_126 = arith.addf %add3A_119, %slice3A_125 : vector<1x1xf32>
    %slice3A_127 = vector.extract_strided_slice %convert_element_type3A_19 {offsets = [0, 1920], sizes = [1, 128], strides = [1, 1]} : vector<1x4096xf32> to vector<1x128xf32>
    %dot_general3A_128 = arith.constant dense<0.000000e+00> : vector<1x128xf32>
    %dot_general3A_129 = tpu.matmul %slice3A_127, %convert_element_type3A_22, %dot_general3A_128 {dimension_numbers = #tpu.dot_dimension_numbers<[1], [0], [0], [1], [0, 0, 1, 1], [], []>, transpose_lhs_hint = false} : vector<1x128xf32>, vector<128x128xf32>, vector<1x128xf32> -> vector<1x128xf32>
    %add3A_130 = vector.broadcast %add3A_126 : vector<1x1xf32> to vector<1x128xf32>
    %add3A_131 = arith.addf %dot_general3A_129, %add3A_130 : vector<1x128xf32>
    %slice3A_132 = vector.extract_strided_slice %dot_general3A_129 {offsets = [0, 127], sizes = [1, 1], strides = [1, 1]} : vector<1x128xf32> to vector<1x1xf32>
    %add3A_133 = arith.addf %add3A_126, %slice3A_132 : vector<1x1xf32>
    %slice3A_134 = vector.extract_strided_slice %convert_element_type3A_19 {offsets = [0, 2048], sizes = [1, 128], strides = [1, 1]} : vector<1x4096xf32> to vector<1x128xf32>
    %dot_general3A_135 = arith.constant dense<0.000000e+00> : vector<1x128xf32>
    %dot_general3A_136 = tpu.matmul %slice3A_134, %convert_element_type3A_22, %dot_general3A_135 {dimension_numbers = #tpu.dot_dimension_numbers<[1], [0], [0], [1], [0, 0, 1, 1], [], []>, transpose_lhs_hint = false} : vector<1x128xf32>, vector<128x128xf32>, vector<1x128xf32> -> vector<1x128xf32>
    %add3A_137 = vector.broadcast %add3A_133 : vector<1x1xf32> to vector<1x128xf32>
    %add3A_138 = arith.addf %dot_general3A_136, %add3A_137 : vector<1x128xf32>
    %slice3A_139 = vector.extract_strided_slice %dot_general3A_136 {offsets = [0, 127], sizes = [1, 1], strides = [1, 1]} : vector<1x128xf32> to vector<1x1xf32>
    %add3A_140 = arith.addf %add3A_133, %slice3A_139 : vector<1x1xf32>
    %slice3A_141 = vector.extract_strided_slice %convert_element_type3A_19 {offsets = [0, 2176], sizes = [1, 128], strides = [1, 1]} : vector<1x4096xf32> to vector<1x128xf32>
    %dot_general3A_142 = arith.constant dense<0.000000e+00> : vector<1x128xf32>
    %dot_general3A_143 = tpu.matmul %slice3A_141, %convert_element_type3A_22, %dot_general3A_142 {dimension_numbers = #tpu.dot_dimension_numbers<[1], [0], [0], [1], [0, 0, 1, 1], [], []>, transpose_lhs_hint = false} : vector<1x128xf32>, vector<128x128xf32>, vector<1x128xf32> -> vector<1x128xf32>
    %add3A_144 = vector.broadcast %add3A_140 : vector<1x1xf32> to vector<1x128xf32>
    %add3A_145 = arith.addf %dot_general3A_143, %add3A_144 : vector<1x128xf32>
    %slice3A_146 = vector.extract_strided_slice %dot_general3A_143 {offsets = [0, 127], sizes = [1, 1], strides = [1, 1]} : vector<1x128xf32> to vector<1x1xf32>
    %add3A_147 = arith.addf %add3A_140, %slice3A_146 : vector<1x1xf32>
    %slice3A_148 = vector.extract_strided_slice %convert_element_type3A_19 {offsets = [0, 2304], sizes = [1, 128], strides = [1, 1]} : vector<1x4096xf32> to vector<1x128xf32>
    %dot_general3A_149 = arith.constant dense<0.000000e+00> : vector<1x128xf32>
    %dot_general3A_150 = tpu.matmul %slice3A_148, %convert_element_type3A_22, %dot_general3A_149 {dimension_numbers = #tpu.dot_dimension_numbers<[1], [0], [0], [1], [0, 0, 1, 1], [], []>, transpose_lhs_hint = false} : vector<1x128xf32>, vector<128x128xf32>, vector<1x128xf32> -> vector<1x128xf32>
    %add3A_151 = vector.broadcast %add3A_147 : vector<1x1xf32> to vector<1x128xf32>
    %add3A_152 = arith.addf %dot_general3A_150, %add3A_151 : vector<1x128xf32>
    %slice3A_153 = vector.extract_strided_slice %dot_general3A_150 {offsets = [0, 127], sizes = [1, 1], strides = [1, 1]} : vector<1x128xf32> to vector<1x1xf32>
    %add3A_154 = arith.addf %add3A_147, %slice3A_153 : vector<1x1xf32>
    %slice3A_155 = vector.extract_strided_slice %convert_element_type3A_19 {offsets = [0, 2432], sizes = [1, 128], strides = [1, 1]} : vector<1x4096xf32> to vector<1x128xf32>
    %dot_general3A_156 = arith.constant dense<0.000000e+00> : vector<1x128xf32>
    %dot_general3A_157 = tpu.matmul %slice3A_155, %convert_element_type3A_22, %dot_general3A_156 {dimension_numbers = #tpu.dot_dimension_numbers<[1], [0], [0], [1], [0, 0, 1, 1], [], []>, transpose_lhs_hint = false} : vector<1x128xf32>, vector<128x128xf32>, vector<1x128xf32> -> vector<1x128xf32>
    %add3A_158 = vector.broadcast %add3A_154 : vector<1x1xf32> to vector<1x128xf32>
    %add3A_159 = arith.addf %dot_general3A_157, %add3A_158 : vector<1x128xf32>
    %slice3A_160 = vector.extract_strided_slice %dot_general3A_157 {offsets = [0, 127], sizes = [1, 1], strides = [1, 1]} : vector<1x128xf32> to vector<1x1xf32>
    %add3A_161 = arith.addf %add3A_154, %slice3A_160 : vector<1x1xf32>
    %slice3A_162 = vector.extract_strided_slice %convert_element_type3A_19 {offsets = [0, 2560], sizes = [1, 128], strides = [1, 1]} : vector<1x4096xf32> to vector<1x128xf32>
    %dot_general3A_163 = arith.constant dense<0.000000e+00> : vector<1x128xf32>
    %dot_general3A_164 = tpu.matmul %slice3A_162, %convert_element_type3A_22, %dot_general3A_163 {dimension_numbers = #tpu.dot_dimension_numbers<[1], [0], [0], [1], [0, 0, 1, 1], [], []>, transpose_lhs_hint = false} : vector<1x128xf32>, vector<128x128xf32>, vector<1x128xf32> -> vector<1x128xf32>
    %add3A_165 = vector.broadcast %add3A_161 : vector<1x1xf32> to vector<1x128xf32>
    %add3A_166 = arith.addf %dot_general3A_164, %add3A_165 : vector<1x128xf32>
    %slice3A_167 = vector.extract_strided_slice %dot_general3A_164 {offsets = [0, 127], sizes = [1, 1], strides = [1, 1]} : vector<1x128xf32> to vector<1x1xf32>
    %add3A_168 = arith.addf %add3A_161, %slice3A_167 : vector<1x1xf32>
    %slice3A_169 = vector.extract_strided_slice %convert_element_type3A_19 {offsets = [0, 2688], sizes = [1, 128], strides = [1, 1]} : vector<1x4096xf32> to vector<1x128xf32>
    %dot_general3A_170 = arith.constant dense<0.000000e+00> : vector<1x128xf32>
    %dot_general3A_171 = tpu.matmul %slice3A_169, %convert_element_type3A_22, %dot_general3A_170 {dimension_numbers = #tpu.dot_dimension_numbers<[1], [0], [0], [1], [0, 0, 1, 1], [], []>, transpose_lhs_hint = false} : vector<1x128xf32>, vector<128x128xf32>, vector<1x128xf32> -> vector<1x128xf32>
    %add3A_172 = vector.broadcast %add3A_168 : vector<1x1xf32> to vector<1x128xf32>
    %add3A_173 = arith.addf %dot_general3A_171, %add3A_172 : vector<1x128xf32>
    %slice3A_174 = vector.extract_strided_slice %dot_general3A_171 {offsets = [0, 127], sizes = [1, 1], strides = [1, 1]} : vector<1x128xf32> to vector<1x1xf32>
    %add3A_175 = arith.addf %add3A_168, %slice3A_174 : vector<1x1xf32>
    %slice3A_176 = vector.extract_strided_slice %convert_element_type3A_19 {offsets = [0, 2816], sizes = [1, 128], strides = [1, 1]} : vector<1x4096xf32> to vector<1x128xf32>
    %dot_general3A_177 = arith.constant dense<0.000000e+00> : vector<1x128xf32>
    %dot_general3A_178 = tpu.matmul %slice3A_176, %convert_element_type3A_22, %dot_general3A_177 {dimension_numbers = #tpu.dot_dimension_numbers<[1], [0], [0], [1], [0, 0, 1, 1], [], []>, transpose_lhs_hint = false} : vector<1x128xf32>, vector<128x128xf32>, vector<1x128xf32> -> vector<1x128xf32>
    %add3A_179 = vector.broadcast %add3A_175 : vector<1x1xf32> to vector<1x128xf32>
    %add3A_180 = arith.addf %dot_general3A_178, %add3A_179 : vector<1x128xf32>
    %slice3A_181 = vector.extract_strided_slice %dot_general3A_178 {offsets = [0, 127], sizes = [1, 1], strides = [1, 1]} : vector<1x128xf32> to vector<1x1xf32>
    %add3A_182 = arith.addf %add3A_175, %slice3A_181 : vector<1x1xf32>
    %slice3A_183 = vector.extract_strided_slice %convert_element_type3A_19 {offsets = [0, 2944], sizes = [1, 128], strides = [1, 1]} : vector<1x4096xf32> to vector<1x128xf32>
    %dot_general3A_184 = arith.constant dense<0.000000e+00> : vector<1x128xf32>
    %dot_general3A_185 = tpu.matmul %slice3A_183, %convert_element_type3A_22, %dot_general3A_184 {dimension_numbers = #tpu.dot_dimension_numbers<[1], [0], [0], [1], [0, 0, 1, 1], [], []>, transpose_lhs_hint = false} : vector<1x128xf32>, vector<128x128xf32>, vector<1x128xf32> -> vector<1x128xf32>
    %add3A_186 = vector.broadcast %add3A_182 : vector<1x1xf32> to vector<1x128xf32>
    %add3A_187 = arith.addf %dot_general3A_185, %add3A_186 : vector<1x128xf32>
    %slice3A_188 = vector.extract_strided_slice %dot_general3A_185 {offsets = [0, 127], sizes = [1, 1], strides = [1, 1]} : vector<1x128xf32> to vector<1x1xf32>
    %add3A_189 = arith.addf %add3A_182, %slice3A_188 : vector<1x1xf32>
    %slice3A_190 = vector.extract_strided_slice %convert_element_type3A_19 {offsets = [0, 3072], sizes = [1, 128], strides = [1, 1]} : vector<1x4096xf32> to vector<1x128xf32>
    %dot_general3A_191 = arith.constant dense<0.000000e+00> : vector<1x128xf32>
    %dot_general3A_192 = tpu.matmul %slice3A_190, %convert_element_type3A_22, %dot_general3A_191 {dimension_numbers = #tpu.dot_dimension_numbers<[1], [0], [0], [1], [0, 0, 1, 1], [], []>, transpose_lhs_hint = false} : vector<1x128xf32>, vector<128x128xf32>, vector<1x128xf32> -> vector<1x128xf32>
    %add3A_193 = vector.broadcast %add3A_189 : vector<1x1xf32> to vector<1x128xf32>
    %add3A_194 = arith.addf %dot_general3A_192, %add3A_193 : vector<1x128xf32>
    %slice3A_195 = vector.extract_strided_slice %dot_general3A_192 {offsets = [0, 127], sizes = [1, 1], strides = [1, 1]} : vector<1x128xf32> to vector<1x1xf32>
    %add3A_196 = arith.addf %add3A_189, %slice3A_195 : vector<1x1xf32>
    %slice3A_197 = vector.extract_strided_slice %convert_element_type3A_19 {offsets = [0, 3200], sizes = [1, 128], strides = [1, 1]} : vector<1x4096xf32> to vector<1x128xf32>
    %dot_general3A_198 = arith.constant dense<0.000000e+00> : vector<1x128xf32>
    %dot_general3A_199 = tpu.matmul %slice3A_197, %convert_element_type3A_22, %dot_general3A_198 {dimension_numbers = #tpu.dot_dimension_numbers<[1], [0], [0], [1], [0, 0, 1, 1], [], []>, transpose_lhs_hint = false} : vector<1x128xf32>, vector<128x128xf32>, vector<1x128xf32> -> vector<1x128xf32>
    %add3A_200 = vector.broadcast %add3A_196 : vector<1x1xf32> to vector<1x128xf32>
    %add3A_201 = arith.addf %dot_general3A_199, %add3A_200 : vector<1x128xf32>
    %slice3A_202 = vector.extract_strided_slice %dot_general3A_199 {offsets = [0, 127], sizes = [1, 1], strides = [1, 1]} : vector<1x128xf32> to vector<1x1xf32>
    %add3A_203 = arith.addf %add3A_196, %slice3A_202 : vector<1x1xf32>
    %slice3A_204 = vector.extract_strided_slice %convert_element_type3A_19 {offsets = [0, 3328], sizes = [1, 128], strides = [1, 1]} : vector<1x4096xf32> to vector<1x128xf32>
    %dot_general3A_205 = arith.constant dense<0.000000e+00> : vector<1x128xf32>
    %dot_general3A_206 = tpu.matmul %slice3A_204, %convert_element_type3A_22, %dot_general3A_205 {dimension_numbers = #tpu.dot_dimension_numbers<[1], [0], [0], [1], [0, 0, 1, 1], [], []>, transpose_lhs_hint = false} : vector<1x128xf32>, vector<128x128xf32>, vector<1x128xf32> -> vector<1x128xf32>
    %add3A_207 = vector.broadcast %add3A_203 : vector<1x1xf32> to vector<1x128xf32>
    %add3A_208 = arith.addf %dot_general3A_206, %add3A_207 : vector<1x128xf32>
    %slice3A_209 = vector.extract_strided_slice %dot_general3A_206 {offsets = [0, 127], sizes = [1, 1], strides = [1, 1]} : vector<1x128xf32> to vector<1x1xf32>
    %add3A_210 = arith.addf %add3A_203, %slice3A_209 : vector<1x1xf32>
    %slice3A_211 = vector.extract_strided_slice %convert_element_type3A_19 {offsets = [0, 3456], sizes = [1, 128], strides = [1, 1]} : vector<1x4096xf32> to vector<1x128xf32>
    %dot_general3A_212 = arith.constant dense<0.000000e+00> : vector<1x128xf32>
    %dot_general3A_213 = tpu.matmul %slice3A_211, %convert_element_type3A_22, %dot_general3A_212 {dimension_numbers = #tpu.dot_dimension_numbers<[1], [0], [0], [1], [0, 0, 1, 1], [], []>, transpose_lhs_hint = false} : vector<1x128xf32>, vector<128x128xf32>, vector<1x128xf32> -> vector<1x128xf32>
    %add3A_214 = vector.broadcast %add3A_210 : vector<1x1xf32> to vector<1x128xf32>
    %add3A_215 = arith.addf %dot_general3A_213, %add3A_214 : vector<1x128xf32>
    %slice3A_216 = vector.extract_strided_slice %dot_general3A_213 {offsets = [0, 127], sizes = [1, 1], strides = [1, 1]} : vector<1x128xf32> to vector<1x1xf32>
    %add3A_217 = arith.addf %add3A_210, %slice3A_216 : vector<1x1xf32>
    %slice3A_218 = vector.extract_strided_slice %convert_element_type3A_19 {offsets = [0, 3584], sizes = [1, 128], strides = [1, 1]} : vector<1x4096xf32> to vector<1x128xf32>
    %dot_general3A_219 = arith.constant dense<0.000000e+00> : vector<1x128xf32>
    %dot_general3A_220 = tpu.matmul %slice3A_218, %convert_element_type3A_22, %dot_general3A_219 {dimension_numbers = #tpu.dot_dimension_numbers<[1], [0], [0], [1], [0, 0, 1, 1], [], []>, transpose_lhs_hint = false} : vector<1x128xf32>, vector<128x128xf32>, vector<1x128xf32> -> vector<1x128xf32>
    %add3A_221 = vector.broadcast %add3A_217 : vector<1x1xf32> to vector<1x128xf32>
    %add3A_222 = arith.addf %dot_general3A_220, %add3A_221 : vector<1x128xf32>
    %slice3A_223 = vector.extract_strided_slice %dot_general3A_220 {offsets = [0, 127], sizes = [1, 1], strides = [1, 1]} : vector<1x128xf32> to vector<1x1xf32>
    %add3A_224 = arith.addf %add3A_217, %slice3A_223 : vector<1x1xf32>
    %slice3A_225 = vector.extract_strided_slice %convert_element_type3A_19 {offsets = [0, 3712], sizes = [1, 128], strides = [1, 1]} : vector<1x4096xf32> to vector<1x128xf32>
    %dot_general3A_226 = arith.constant dense<0.000000e+00> : vector<1x128xf32>
    %dot_general3A_227 = tpu.matmul %slice3A_225, %convert_element_type3A_22, %dot_general3A_226 {dimension_numbers = #tpu.dot_dimension_numbers<[1], [0], [0], [1], [0, 0, 1, 1], [], []>, transpose_lhs_hint = false} : vector<1x128xf32>, vector<128x128xf32>, vector<1x128xf32> -> vector<1x128xf32>
    %add3A_228 = vector.broadcast %add3A_224 : vector<1x1xf32> to vector<1x128xf32>
    %add3A_229 = arith.addf %dot_general3A_227, %add3A_228 : vector<1x128xf32>
    %slice3A_230 = vector.extract_strided_slice %dot_general3A_227 {offsets = [0, 127], sizes = [1, 1], strides = [1, 1]} : vector<1x128xf32> to vector<1x1xf32>
    %add3A_231 = arith.addf %add3A_224, %slice3A_230 : vector<1x1xf32>
    %slice3A_232 = vector.extract_strided_slice %convert_element_type3A_19 {offsets = [0, 3840], sizes = [1, 128], strides = [1, 1]} : vector<1x4096xf32> to vector<1x128xf32>
    %dot_general3A_233 = arith.constant dense<0.000000e+00> : vector<1x128xf32>
    %dot_general3A_234 = tpu.matmul %slice3A_232, %convert_element_type3A_22, %dot_general3A_233 {dimension_numbers = #tpu.dot_dimension_numbers<[1], [0], [0], [1], [0, 0, 1, 1], [], []>, transpose_lhs_hint = false} : vector<1x128xf32>, vector<128x128xf32>, vector<1x128xf32> -> vector<1x128xf32>
    %add3A_235 = vector.broadcast %add3A_231 : vector<1x1xf32> to vector<1x128xf32>
    %add3A_236 = arith.addf %dot_general3A_234, %add3A_235 : vector<1x128xf32>
    %slice3A_237 = vector.extract_strided_slice %dot_general3A_234 {offsets = [0, 127], sizes = [1, 1], strides = [1, 1]} : vector<1x128xf32> to vector<1x1xf32>
    %add3A_238 = arith.addf %add3A_231, %slice3A_237 : vector<1x1xf32>
    %slice3A_239 = vector.extract_strided_slice %convert_element_type3A_19 {offsets = [0, 3968], sizes = [1, 128], strides = [1, 1]} : vector<1x4096xf32> to vector<1x128xf32>
    %dot_general3A_240 = arith.constant dense<0.000000e+00> : vector<1x128xf32>
    %dot_general3A_241 = tpu.matmul %slice3A_239, %convert_element_type3A_22, %dot_general3A_240 {dimension_numbers = #tpu.dot_dimension_numbers<[1], [0], [0], [1], [0, 0, 1, 1], [], []>, transpose_lhs_hint = false} : vector<1x128xf32>, vector<128x128xf32>, vector<1x128xf32> -> vector<1x128xf32>
    %add3A_242 = vector.broadcast %add3A_238 : vector<1x1xf32> to vector<1x128xf32>
    %add3A_243 = arith.addf %dot_general3A_241, %add3A_242 : vector<1x128xf32>
    %concatenate3A = tpu.concatenate %add3A_26, %add3A_33, %add3A_40, %add3A_47, %add3A_54, %add3A_61, %add3A_68, %add3A_75, %add3A_82, %add3A_89, %add3A_96, %add3A_103, %add3A_110, %add3A_117, %add3A_124, %add3A_131, %add3A_138, %add3A_145, %add3A_152, %add3A_159, %add3A_166, %add3A_173, %add3A_180, %add3A_187, %add3A_194, %add3A_201, %add3A_208, %add3A_215, %add3A_222, %add3A_229, %add3A_236, %add3A_243 in 1 : vector<1x128xf32>, vector<1x128xf32>, vector<1x128xf32>, vector<1x128xf32>, vector<1x128xf32>, vector<1x128xf32>, vector<1x128xf32>, vector<1x128xf32>, vector<1x128xf32>, vector<1x128xf32>, vector<1x128xf32>, vector<1x128xf32>, vector<1x128xf32>, vector<1x128xf32>, vector<1x128xf32>, vector<1x128xf32>, vector<1x128xf32>, vector<1x128xf32>, vector<1x128xf32>, vector<1x128xf32>, vector<1x128xf32>, vector<1x128xf32>, vector<1x128xf32>, vector<1x128xf32>, vector<1x128xf32>, vector<1x128xf32>, vector<1x128xf32>, vector<1x128xf32>, vector<1x128xf32>, vector<1x128xf32>, vector<1x128xf32>, vector<1x128xf32> -> vector<1x4096xf32>
    %mul3A = arith.mulf %concatenate3A, %convert_element_type3A_19 : vector<1x4096xf32>
    %iota3A_244 = tpu.iota {dimensions = array<i32: 0>} : vector<4096x1xi32>
    %jit3A = arith.constant 64 : i32
    %div3A_245 = vector.broadcast %jit3A : i32 to vector<4096x1xi32>
    %div3A_246 = arith.divsi %iota3A_244, %div3A_245 : vector<4096x1xi32>
    %sign3A = arith.constant 0 : i32
    %sign3A_247 = vector.broadcast %sign3A : i32 to vector<4096x1xi32>
    %sign3A_248 = arith.cmpi sgt, %iota3A_244, %sign3A_247 : vector<4096x1xi32>
    %sign3A_249 = arith.extui %sign3A_248 : vector<4096x1xi1> to vector<4096x1xi32>
    %sign3A_250 = arith.constant 0 : i32
    %sign3A_251 = vector.broadcast %sign3A_250 : i32 to vector<4096x1xi32>
    %sign3A_252 = arith.cmpi slt, %iota3A_244, %sign3A_251 : vector<4096x1xi32>
    %sign3A_253 = arith.extui %sign3A_252 : vector<4096x1xi1> to vector<4096x1xi32>
    %sign3A_254 = arith.subi %sign3A_249, %sign3A_253 : vector<4096x1xi32>
    %sign3A_255 = arith.constant 0 : i32
    %sign3A_256 = arith.cmpi sgt, %jit3A, %sign3A_255 : i32
    %sign3A_257 = arith.extui %sign3A_256 : i1 to i32
    %sign3A_258 = arith.constant 0 : i32
    %sign3A_259 = arith.cmpi slt, %jit3A, %sign3A_258 : i32
    %sign3A_260 = arith.extui %sign3A_259 : i1 to i32
    %sign3A_261 = arith.subi %sign3A_257, %sign3A_260 : i32
    %ne3A = vector.broadcast %sign3A_261 : i32 to vector<4096x1xi32>
    %ne3A_262 = arith.cmpi ne, %sign3A_254, %ne3A : vector<4096x1xi32>
    %rem3A = vector.broadcast %jit3A : i32 to vector<4096x1xi32>
    %rem3A_263 = arith.remsi %iota3A_244, %rem3A : vector<4096x1xi32>
    %ne3A_264 = arith.constant 0 : i32
    %ne3A_265 = vector.broadcast %ne3A_264 : i32 to vector<4096x1xi32>
    %ne3A_266 = arith.cmpi ne, %rem3A_263, %ne3A_265 : vector<4096x1xi32>
    %and3A = arith.andi %ne3A_262, %ne3A_266 : vector<4096x1xi1>
    %sub3A_267 = arith.constant 1 : i32
    %sub3A_268 = vector.broadcast %sub3A_267 : i32 to vector<4096x1xi32>
    %sub3A_269 = arith.subi %div3A_246, %sub3A_268 : vector<4096x1xi32>
    %select_n3A = arith.select %and3A, %sub3A_269, %div3A_246 : vector<4096x1xi1>, vector<4096x1xi32>
    %convert_element_type3A_270 = arith.sitofp %select_n3A : vector<4096x1xi32> to vector<4096x1xf32>
    %jit3A_271 = arith.constant 64 : i32
    %eq3A = arith.constant 0 : i32
    %eq3A_272 = arith.cmpi eq, %jit3A_271, %eq3A : i32
    %jit3A_273 = arith.constant 1 : i32
    %select_n3A_274 = arith.select %eq3A_272, %jit3A_273, %jit3A_271 : i32
    %rem3A_275 = vector.broadcast %select_n3A_274 : i32 to vector<4096x1xi32>
    %rem3A_276 = arith.remsi %iota3A_244, %rem3A_275 : vector<4096x1xi32>
    %ne3A_277 = arith.constant 0 : i32
    %ne3A_278 = vector.broadcast %ne3A_277 : i32 to vector<4096x1xi32>
    %ne3A_279 = arith.cmpi ne, %rem3A_276, %ne3A_278 : vector<4096x1xi32>
    %lt3A = arith.constant 0 : i32
    %lt3A_280 = vector.broadcast %lt3A : i32 to vector<4096x1xi32>
    %lt3A_281 = arith.cmpi slt, %rem3A_276, %lt3A_280 : vector<4096x1xi32>
    %lt3A_282 = arith.constant 0 : i32
    %lt3A_283 = arith.cmpi slt, %select_n3A_274, %lt3A_282 : i32
    %ne3A_284 = vector.broadcast %lt3A_283 : i1 to vector<4096x1xi1>
    %ne3A_285 = vector.broadcast %ne3A_284 : vector<4096x1xi1> to vector<4096x1xi1>
    %ne3A_286 = arith.xori %lt3A_281, %ne3A_285 : vector<4096x1xi1>
    %and3A_287 = arith.andi %ne3A_286, %ne3A_279 : vector<4096x1xi1>
    %add3A_288 = vector.broadcast %select_n3A_274 : i32 to vector<4096x1xi32>
    %add3A_289 = arith.addi %rem3A_276, %add3A_288 : vector<4096x1xi32>
    %select_n3A_290 = arith.select %and3A_287, %add3A_289, %rem3A_276 : vector<4096x1xi1>, vector<4096x1xi32>
    %convert_element_type3A_291 = arith.sitofp %select_n3A_290 : vector<4096x1xi32> to vector<4096x1xf32>
    %iota3A_292 = tpu.iota {dimensions = array<i32: 0>} : vector<128x1xi32>
    %broadcast_in_dim3A_293 = vector.shape_cast %mul3A : vector<1x4096xf32> to vector<1x4096xf32>
    %broadcast_in_dim3A_294 = vector.broadcast %broadcast_in_dim3A_293 : vector<1x4096xf32> to vector<128x4096xf32>
    %add3A_295 = arith.constant 1 : i32
    %add3A_296 = vector.broadcast %add3A_295 : i32 to vector<128x1xi32>
    %add3A_297 = arith.addi %iota3A_292, %add3A_296 : vector<128x1xi32>
    %convert_element_type3A_298 = arith.sitofp %add3A_297 : vector<128x1xi32> to vector<128x1xf32>
    %eq3A_299 = vector.broadcast %convert_element_type3A_298 : vector<128x1xf32> to vector<128x4096xf32>
    %eq3A_300 = arith.cmpf oeq, %broadcast_in_dim3A_294, %eq3A_299 : vector<128x4096xf32>
    %convert_element_type3A_301 = arith.extui %eq3A_300 : vector<128x4096xi1> to vector<128x4096xi32>
    %convert_element_type3A_302 = arith.sitofp %convert_element_type3A_301 : vector<128x4096xi32> to vector<128x4096xf32>
    %dot_general3A_303 = arith.constant dense<0.000000e+00> : vector<128x1xf32>
    %dot_general3A_304 = tpu.matmul %convert_element_type3A_302, %convert_element_type3A_270, %dot_general3A_303 {dimension_numbers = #tpu.dot_dimension_numbers<[1], [0], [0], [1], [0, 0, 1, 1], [], []>, transpose_lhs_hint = false} : vector<128x4096xf32>, vector<4096x1xf32>, vector<128x1xf32> -> vector<128x1xf32>
    %dot_general3A_305 = arith.constant dense<0.000000e+00> : vector<128x1xf32>
    %dot_general3A_306 = tpu.matmul %convert_element_type3A_302, %convert_element_type3A_291, %dot_general3A_305 {dimension_numbers = #tpu.dot_dimension_numbers<[1], [0], [0], [1], [0, 0, 1, 1], [], []>, transpose_lhs_hint = false} : vector<128x4096xf32>, vector<4096x1xf32>, vector<128x1xf32> -> vector<128x1xf32>
    %squeeze3A = vector.shape_cast %dot_general3A_304 : vector<128x1xf32> to vector<128xf32>
    %mul3A_307 = arith.constant 6.400000e+01 : f32
    %mul3A_308 = vector.broadcast %mul3A_307 : f32 to vector<128xf32>
    %mul3A_309 = arith.mulf %squeeze3A, %mul3A_308 : vector<128xf32>
    %squeeze3A_310 = vector.shape_cast %dot_general3A_306 : vector<128x1xf32> to vector<128xf32>
    %add3A_311 = arith.addf %mul3A_309, %squeeze3A_310 : vector<128xf32>
    %swap3A = arith.constant 0 : index
    %swap3A_312 = arith.constant 0 : index
    %swap3A_313 = arith.constant 0 : index
    %swap3A_314 = vector.load %arg2[%swap3A, %swap3A_312, %swap3A_313] : memref<1x8x128xf32, #tpu.memory_space<vmem>>, vector<1x1x128xf32>
    %swap3A_315 = vector.shape_cast %swap3A_314 : vector<1x1x128xf32> to vector<128xf32>
    %swap3A_316 = vector.shape_cast %add3A_311 : vector<128xf32> to vector<1x1x128xf32>
    tpu.vector_store %arg2[%swap3A, %swap3A_312, %swap3A_313], %swap3A_316 {strides = array<i32>} : memref<1x8x128xf32, #tpu.memory_space<vmem>>, vector<1x1x128xf32>,
    %add3A_317 = arith.constant 129 : i32
    %add3A_318 = vector.broadcast %add3A_317 : i32 to vector<128x1xi32>
    %add3A_319 = arith.addi %iota3A_292, %add3A_318 : vector<128x1xi32>
    %convert_element_type3A_320 = arith.sitofp %add3A_319 : vector<128x1xi32> to vector<128x1xf32>
    %eq3A_321 = vector.broadcast %convert_element_type3A_320 : vector<128x1xf32> to vector<128x4096xf32>
    %eq3A_322 = arith.cmpf oeq, %broadcast_in_dim3A_294, %eq3A_321 : vector<128x4096xf32>
    %convert_element_type3A_323 = arith.extui %eq3A_322 : vector<128x4096xi1> to vector<128x4096xi32>
    %convert_element_type3A_324 = arith.sitofp %convert_element_type3A_323 : vector<128x4096xi32> to vector<128x4096xf32>
    %dot_general3A_325 = arith.constant dense<0.000000e+00> : vector<128x1xf32>
    %dot_general3A_326 = tpu.matmul %convert_element_type3A_324, %convert_element_type3A_270, %dot_general3A_325 {dimension_numbers = #tpu.dot_dimension_numbers<[1], [0], [0], [1], [0, 0, 1, 1], [], []>, transpose_lhs_hint = false} : vector<128x4096xf32>, vector<4096x1xf32>, vector<128x1xf32> -> vector<128x1xf32>
    %dot_general3A_327 = arith.constant dense<0.000000e+00> : vector<128x1xf32>
    %dot_general3A_328 = tpu.matmul %convert_element_type3A_324, %convert_element_type3A_291, %dot_general3A_327 {dimension_numbers = #tpu.dot_dimension_numbers<[1], [0], [0], [1], [0, 0, 1, 1], [], []>, transpose_lhs_hint = false} : vector<128x4096xf32>, vector<4096x1xf32>, vector<128x1xf32> -> vector<128x1xf32>
    %squeeze3A_329 = vector.shape_cast %dot_general3A_326 : vector<128x1xf32> to vector<128xf32>
    %mul3A_330 = arith.constant 6.400000e+01 : f32
    %mul3A_331 = vector.broadcast %mul3A_330 : f32 to vector<128xf32>
    %mul3A_332 = arith.mulf %squeeze3A_329, %mul3A_331 : vector<128xf32>
    %squeeze3A_333 = vector.shape_cast %dot_general3A_328 : vector<128x1xf32> to vector<128xf32>
    %add3A_334 = arith.addf %mul3A_332, %squeeze3A_333 : vector<128xf32>
    %swap3A_335 = arith.constant 0 : index
    %swap3A_336 = arith.constant 1 : index
    %swap3A_337 = arith.constant 0 : index
    %swap3A_338 = vector.load %arg2[%swap3A_335, %swap3A_336, %swap3A_337] : memref<1x8x128xf32, #tpu.memory_space<vmem>>, vector<1x1x128xf32>
    %swap3A_339 = vector.shape_cast %swap3A_338 : vector<1x1x128xf32> to vector<128xf32>
    %swap3A_340 = vector.shape_cast %add3A_334 : vector<128xf32> to vector<1x1x128xf32>
    tpu.vector_store %arg2[%swap3A_335, %swap3A_336, %swap3A_337], %swap3A_340 {strides = array<i32>} : memref<1x8x128xf32, #tpu.memory_space<vmem>>, vector<1x1x128xf32>,
    %add3A_341 = arith.constant 257 : i32
    %add3A_342 = vector.broadcast %add3A_341 : i32 to vector<128x1xi32>
    %add3A_343 = arith.addi %iota3A_292, %add3A_342 : vector<128x1xi32>
    %convert_element_type3A_344 = arith.sitofp %add3A_343 : vector<128x1xi32> to vector<128x1xf32>
    %eq3A_345 = vector.broadcast %convert_element_type3A_344 : vector<128x1xf32> to vector<128x4096xf32>
    %eq3A_346 = arith.cmpf oeq, %broadcast_in_dim3A_294, %eq3A_345 : vector<128x4096xf32>
    %convert_element_type3A_347 = arith.extui %eq3A_346 : vector<128x4096xi1> to vector<128x4096xi32>
    %convert_element_type3A_348 = arith.sitofp %convert_element_type3A_347 : vector<128x4096xi32> to vector<128x4096xf32>
    %dot_general3A_349 = arith.constant dense<0.000000e+00> : vector<128x1xf32>
    %dot_general3A_350 = tpu.matmul %convert_element_type3A_348, %convert_element_type3A_270, %dot_general3A_349 {dimension_numbers = #tpu.dot_dimension_numbers<[1], [0], [0], [1], [0, 0, 1, 1], [], []>, transpose_lhs_hint = false} : vector<128x4096xf32>, vector<4096x1xf32>, vector<128x1xf32> -> vector<128x1xf32>
    %dot_general3A_351 = arith.constant dense<0.000000e+00> : vector<128x1xf32>
    %dot_general3A_352 = tpu.matmul %convert_element_type3A_348, %convert_element_type3A_291, %dot_general3A_351 {dimension_numbers = #tpu.dot_dimension_numbers<[1], [0], [0], [1], [0, 0, 1, 1], [], []>, transpose_lhs_hint = false} : vector<128x4096xf32>, vector<4096x1xf32>, vector<128x1xf32> -> vector<128x1xf32>
    %squeeze3A_353 = vector.shape_cast %dot_general3A_350 : vector<128x1xf32> to vector<128xf32>
    %mul3A_354 = arith.constant 6.400000e+01 : f32
    %mul3A_355 = vector.broadcast %mul3A_354 : f32 to vector<128xf32>
    %mul3A_356 = arith.mulf %squeeze3A_353, %mul3A_355 : vector<128xf32>
    %squeeze3A_357 = vector.shape_cast %dot_general3A_352 : vector<128x1xf32> to vector<128xf32>
    %add3A_358 = arith.addf %mul3A_356, %squeeze3A_357 : vector<128xf32>
    %swap3A_359 = arith.constant 0 : index
    %swap3A_360 = arith.constant 2 : index
    %swap3A_361 = arith.constant 0 : index
    %swap3A_362 = vector.load %arg2[%swap3A_359, %swap3A_360, %swap3A_361] : memref<1x8x128xf32, #tpu.memory_space<vmem>>, vector<1x1x128xf32>
    %swap3A_363 = vector.shape_cast %swap3A_362 : vector<1x1x128xf32> to vector<128xf32>
    %swap3A_364 = vector.shape_cast %add3A_358 : vector<128xf32> to vector<1x1x128xf32>
    tpu.vector_store %arg2[%swap3A_359, %swap3A_360, %swap3A_361], %swap3A_364 {strides = array<i32>} : memref<1x8x128xf32, #tpu.memory_space<vmem>>, vector<1x1x128xf32>,
    %add3A_365 = arith.constant 385 : i32
    %add3A_366 = vector.broadcast %add3A_365 : i32 to vector<128x1xi32>
    %add3A_367 = arith.addi %iota3A_292, %add3A_366 : vector<128x1xi32>
    %convert_element_type3A_368 = arith.sitofp %add3A_367 : vector<128x1xi32> to vector<128x1xf32>
    %eq3A_369 = vector.broadcast %convert_element_type3A_368 : vector<128x1xf32> to vector<128x4096xf32>
    %eq3A_370 = arith.cmpf oeq, %broadcast_in_dim3A_294, %eq3A_369 : vector<128x4096xf32>
    %convert_element_type3A_371 = arith.extui %eq3A_370 : vector<128x4096xi1> to vector<128x4096xi32>
    %convert_element_type3A_372 = arith.sitofp %convert_element_type3A_371 : vector<128x4096xi32> to vector<128x4096xf32>
    %dot_general3A_373 = arith.constant dense<0.000000e+00> : vector<128x1xf32>
    %dot_general3A_374 = tpu.matmul %convert_element_type3A_372, %convert_element_type3A_270, %dot_general3A_373 {dimension_numbers = #tpu.dot_dimension_numbers<[1], [0], [0], [1], [0, 0, 1, 1], [], []>, transpose_lhs_hint = false} : vector<128x4096xf32>, vector<4096x1xf32>, vector<128x1xf32> -> vector<128x1xf32>
    %dot_general3A_375 = arith.constant dense<0.000000e+00> : vector<128x1xf32>
    %dot_general3A_376 = tpu.matmul %convert_element_type3A_372, %convert_element_type3A_291, %dot_general3A_375 {dimension_numbers = #tpu.dot_dimension_numbers<[1], [0], [0], [1], [0, 0, 1, 1], [], []>, transpose_lhs_hint = false} : vector<128x4096xf32>, vector<4096x1xf32>, vector<128x1xf32> -> vector<128x1xf32>
    %squeeze3A_377 = vector.shape_cast %dot_general3A_374 : vector<128x1xf32> to vector<128xf32>
    %mul3A_378 = arith.constant 6.400000e+01 : f32
    %mul3A_379 = vector.broadcast %mul3A_378 : f32 to vector<128xf32>
    %mul3A_380 = arith.mulf %squeeze3A_377, %mul3A_379 : vector<128xf32>
    %squeeze3A_381 = vector.shape_cast %dot_general3A_376 : vector<128x1xf32> to vector<128xf32>
    %add3A_382 = arith.addf %mul3A_380, %squeeze3A_381 : vector<128xf32>
    %swap3A_383 = arith.constant 0 : index
    %swap3A_384 = arith.constant 3 : index
    %swap3A_385 = arith.constant 0 : index
    %swap3A_386 = vector.load %arg2[%swap3A_383, %swap3A_384, %swap3A_385] : memref<1x8x128xf32, #tpu.memory_space<vmem>>, vector<1x1x128xf32>
    %swap3A_387 = vector.shape_cast %swap3A_386 : vector<1x1x128xf32> to vector<128xf32>
    %swap3A_388 = vector.shape_cast %add3A_382 : vector<128xf32> to vector<1x1x128xf32>
    tpu.vector_store %arg2[%swap3A_383, %swap3A_384, %swap3A_385], %swap3A_388 {strides = array<i32>} : memref<1x8x128xf32, #tpu.memory_space<vmem>>, vector<1x1x128xf32>,
    %add3A_389 = arith.constant 513 : i32
    %add3A_390 = vector.broadcast %add3A_389 : i32 to vector<128x1xi32>
    %add3A_391 = arith.addi %iota3A_292, %add3A_390 : vector<128x1xi32>
    %convert_element_type3A_392 = arith.sitofp %add3A_391 : vector<128x1xi32> to vector<128x1xf32>
    %eq3A_393 = vector.broadcast %convert_element_type3A_392 : vector<128x1xf32> to vector<128x4096xf32>
    %eq3A_394 = arith.cmpf oeq, %broadcast_in_dim3A_294, %eq3A_393 : vector<128x4096xf32>
    %convert_element_type3A_395 = arith.extui %eq3A_394 : vector<128x4096xi1> to vector<128x4096xi32>
    %convert_element_type3A_396 = arith.sitofp %convert_element_type3A_395 : vector<128x4096xi32> to vector<128x4096xf32>
    %dot_general3A_397 = arith.constant dense<0.000000e+00> : vector<128x1xf32>
    %dot_general3A_398 = tpu.matmul %convert_element_type3A_396, %convert_element_type3A_270, %dot_general3A_397 {dimension_numbers = #tpu.dot_dimension_numbers<[1], [0], [0], [1], [0, 0, 1, 1], [], []>, transpose_lhs_hint = false} : vector<128x4096xf32>, vector<4096x1xf32>, vector<128x1xf32> -> vector<128x1xf32>
    %dot_general3A_399 = arith.constant dense<0.000000e+00> : vector<128x1xf32>
    %dot_general3A_400 = tpu.matmul %convert_element_type3A_396, %convert_element_type3A_291, %dot_general3A_399 {dimension_numbers = #tpu.dot_dimension_numbers<[1], [0], [0], [1], [0, 0, 1, 1], [], []>, transpose_lhs_hint = false} : vector<128x4096xf32>, vector<4096x1xf32>, vector<128x1xf32> -> vector<128x1xf32>
    %squeeze3A_401 = vector.shape_cast %dot_general3A_398 : vector<128x1xf32> to vector<128xf32>
    %mul3A_402 = arith.constant 6.400000e+01 : f32
    %mul3A_403 = vector.broadcast %mul3A_402 : f32 to vector<128xf32>
    %mul3A_404 = arith.mulf %squeeze3A_401, %mul3A_403 : vector<128xf32>
    %squeeze3A_405 = vector.shape_cast %dot_general3A_400 : vector<128x1xf32> to vector<128xf32>
    %add3A_406 = arith.addf %mul3A_404, %squeeze3A_405 : vector<128xf32>
    %swap3A_407 = arith.constant 0 : index
    %swap3A_408 = arith.constant 4 : index
    %swap3A_409 = arith.constant 0 : index
    %swap3A_410 = vector.load %arg2[%swap3A_407, %swap3A_408, %swap3A_409] : memref<1x8x128xf32, #tpu.memory_space<vmem>>, vector<1x1x128xf32>
    %swap3A_411 = vector.shape_cast %swap3A_410 : vector<1x1x128xf32> to vector<128xf32>
    %swap3A_412 = vector.shape_cast %add3A_406 : vector<128xf32> to vector<1x1x128xf32>
    tpu.vector_store %arg2[%swap3A_407, %swap3A_408, %swap3A_409], %swap3A_412 {strides = array<i32>} : memref<1x8x128xf32, #tpu.memory_space<vmem>>, vector<1x1x128xf32>,
    %add3A_413 = arith.constant 641 : i32
    %add3A_414 = vector.broadcast %add3A_413 : i32 to vector<128x1xi32>
    %add3A_415 = arith.addi %iota3A_292, %add3A_414 : vector<128x1xi32>
    %convert_element_type3A_416 = arith.sitofp %add3A_415 : vector<128x1xi32> to vector<128x1xf32>
    %eq3A_417 = vector.broadcast %convert_element_type3A_416 : vector<128x1xf32> to vector<128x4096xf32>
    %eq3A_418 = arith.cmpf oeq, %broadcast_in_dim3A_294, %eq3A_417 : vector<128x4096xf32>
    %convert_element_type3A_419 = arith.extui %eq3A_418 : vector<128x4096xi1> to vector<128x4096xi32>
    %convert_element_type3A_420 = arith.sitofp %convert_element_type3A_419 : vector<128x4096xi32> to vector<128x4096xf32>
    %dot_general3A_421 = arith.constant dense<0.000000e+00> : vector<128x1xf32>
    %dot_general3A_422 = tpu.matmul %convert_element_type3A_420, %convert_element_type3A_270, %dot_general3A_421 {dimension_numbers = #tpu.dot_dimension_numbers<[1], [0], [0], [1], [0, 0, 1, 1], [], []>, transpose_lhs_hint = false} : vector<128x4096xf32>, vector<4096x1xf32>, vector<128x1xf32> -> vector<128x1xf32>
    %dot_general3A_423 = arith.constant dense<0.000000e+00> : vector<128x1xf32>
    %dot_general3A_424 = tpu.matmul %convert_element_type3A_420, %convert_element_type3A_291, %dot_general3A_423 {dimension_numbers = #tpu.dot_dimension_numbers<[1], [0], [0], [1], [0, 0, 1, 1], [], []>, transpose_lhs_hint = false} : vector<128x4096xf32>, vector<4096x1xf32>, vector<128x1xf32> -> vector<128x1xf32>
    %squeeze3A_425 = vector.shape_cast %dot_general3A_422 : vector<128x1xf32> to vector<128xf32>
    %mul3A_426 = arith.constant 6.400000e+01 : f32
    %mul3A_427 = vector.broadcast %mul3A_426 : f32 to vector<128xf32>
    %mul3A_428 = arith.mulf %squeeze3A_425, %mul3A_427 : vector<128xf32>
    %squeeze3A_429 = vector.shape_cast %dot_general3A_424 : vector<128x1xf32> to vector<128xf32>
    %add3A_430 = arith.addf %mul3A_428, %squeeze3A_429 : vector<128xf32>
    %swap3A_431 = arith.constant 0 : index
    %swap3A_432 = arith.constant 5 : index
    %swap3A_433 = arith.constant 0 : index
    %swap3A_434 = vector.load %arg2[%swap3A_431, %swap3A_432, %swap3A_433] : memref<1x8x128xf32, #tpu.memory_space<vmem>>, vector<1x1x128xf32>
    %swap3A_435 = vector.shape_cast %swap3A_434 : vector<1x1x128xf32> to vector<128xf32>
    %swap3A_436 = vector.shape_cast %add3A_430 : vector<128xf32> to vector<1x1x128xf32>
    tpu.vector_store %arg2[%swap3A_431, %swap3A_432, %swap3A_433], %swap3A_436 {strides = array<i32>} : memref<1x8x128xf32, #tpu.memory_space<vmem>>, vector<1x1x128xf32>,
    %add3A_437 = arith.constant 769 : i32
    %add3A_438 = vector.broadcast %add3A_437 : i32 to vector<128x1xi32>
    %add3A_439 = arith.addi %iota3A_292, %add3A_438 : vector<128x1xi32>
    %convert_element_type3A_440 = arith.sitofp %add3A_439 : vector<128x1xi32> to vector<128x1xf32>
    %eq3A_441 = vector.broadcast %convert_element_type3A_440 : vector<128x1xf32> to vector<128x4096xf32>
    %eq3A_442 = arith.cmpf oeq, %broadcast_in_dim3A_294, %eq3A_441 : vector<128x4096xf32>
    %convert_element_type3A_443 = arith.extui %eq3A_442 : vector<128x4096xi1> to vector<128x4096xi32>
    %convert_element_type3A_444 = arith.sitofp %convert_element_type3A_443 : vector<128x4096xi32> to vector<128x4096xf32>
    %dot_general3A_445 = arith.constant dense<0.000000e+00> : vector<128x1xf32>
    %dot_general3A_446 = tpu.matmul %convert_element_type3A_444, %convert_element_type3A_270, %dot_general3A_445 {dimension_numbers = #tpu.dot_dimension_numbers<[1], [0], [0], [1], [0, 0, 1, 1], [], []>, transpose_lhs_hint = false} : vector<128x4096xf32>, vector<4096x1xf32>, vector<128x1xf32> -> vector<128x1xf32>
    %dot_general3A_447 = arith.constant dense<0.000000e+00> : vector<128x1xf32>
    %dot_general3A_448 = tpu.matmul %convert_element_type3A_444, %convert_element_type3A_291, %dot_general3A_447 {dimension_numbers = #tpu.dot_dimension_numbers<[1], [0], [0], [1], [0, 0, 1, 1], [], []>, transpose_lhs_hint = false} : vector<128x4096xf32>, vector<4096x1xf32>, vector<128x1xf32> -> vector<128x1xf32>
    %squeeze3A_449 = vector.shape_cast %dot_general3A_446 : vector<128x1xf32> to vector<128xf32>
    %mul3A_450 = arith.constant 6.400000e+01 : f32
    %mul3A_451 = vector.broadcast %mul3A_450 : f32 to vector<128xf32>
    %mul3A_452 = arith.mulf %squeeze3A_449, %mul3A_451 : vector<128xf32>
    %squeeze3A_453 = vector.shape_cast %dot_general3A_448 : vector<128x1xf32> to vector<128xf32>
    %add3A_454 = arith.addf %mul3A_452, %squeeze3A_453 : vector<128xf32>
    %swap3A_455 = arith.constant 0 : index
    %swap3A_456 = arith.constant 6 : index
    %swap3A_457 = arith.constant 0 : index
    %swap3A_458 = vector.load %arg2[%swap3A_455, %swap3A_456, %swap3A_457] : memref<1x8x128xf32, #tpu.memory_space<vmem>>, vector<1x1x128xf32>
    %swap3A_459 = vector.shape_cast %swap3A_458 : vector<1x1x128xf32> to vector<128xf32>
    %swap3A_460 = vector.shape_cast %add3A_454 : vector<128xf32> to vector<1x1x128xf32>
    tpu.vector_store %arg2[%swap3A_455, %swap3A_456, %swap3A_457], %swap3A_460 {strides = array<i32>} : memref<1x8x128xf32, #tpu.memory_space<vmem>>, vector<1x1x128xf32>,
    %add3A_461 = arith.constant 897 : i32
    %add3A_462 = vector.broadcast %add3A_461 : i32 to vector<128x1xi32>
    %add3A_463 = arith.addi %iota3A_292, %add3A_462 : vector<128x1xi32>
    %convert_element_type3A_464 = arith.sitofp %add3A_463 : vector<128x1xi32> to vector<128x1xf32>
    %eq3A_465 = vector.broadcast %convert_element_type3A_464 : vector<128x1xf32> to vector<128x4096xf32>
    %eq3A_466 = arith.cmpf oeq, %broadcast_in_dim3A_294, %eq3A_465 : vector<128x4096xf32>
    %convert_element_type3A_467 = arith.extui %eq3A_466 : vector<128x4096xi1> to vector<128x4096xi32>
    %convert_element_type3A_468 = arith.sitofp %convert_element_type3A_467 : vector<128x4096xi32> to vector<128x4096xf32>
    %dot_general3A_469 = arith.constant dense<0.000000e+00> : vector<128x1xf32>
    %dot_general3A_470 = tpu.matmul %convert_element_type3A_468, %convert_element_type3A_270, %dot_general3A_469 {dimension_numbers = #tpu.dot_dimension_numbers<[1], [0], [0], [1], [0, 0, 1, 1], [], []>, transpose_lhs_hint = false} : vector<128x4096xf32>, vector<4096x1xf32>, vector<128x1xf32> -> vector<128x1xf32>
    %dot_general3A_471 = arith.constant dense<0.000000e+00> : vector<128x1xf32>
    %dot_general3A_472 = tpu.matmul %convert_element_type3A_468, %convert_element_type3A_291, %dot_general3A_471 {dimension_numbers = #tpu.dot_dimension_numbers<[1], [0], [0], [1], [0, 0, 1, 1], [], []>, transpose_lhs_hint = false} : vector<128x4096xf32>, vector<4096x1xf32>, vector<128x1xf32> -> vector<128x1xf32>
    %squeeze3A_473 = vector.shape_cast %dot_general3A_470 : vector<128x1xf32> to vector<128xf32>
    %mul3A_474 = arith.constant 6.400000e+01 : f32
    %mul3A_475 = vector.broadcast %mul3A_474 : f32 to vector<128xf32>
    %mul3A_476 = arith.mulf %squeeze3A_473, %mul3A_475 : vector<128xf32>
    %squeeze3A_477 = vector.shape_cast %dot_general3A_472 : vector<128x1xf32> to vector<128xf32>
    %add3A_478 = arith.addf %mul3A_476, %squeeze3A_477 : vector<128xf32>
    %swap3A_479 = arith.constant 0 : index
    %swap3A_480 = arith.constant 7 : index
    %swap3A_481 = arith.constant 0 : index
    %swap3A_482 = vector.load %arg2[%swap3A_479, %swap3A_480, %swap3A_481] : memref<1x8x128xf32, #tpu.memory_space<vmem>>, vector<1x1x128xf32>
    %swap3A_483 = vector.shape_cast %swap3A_482 : vector<1x1x128xf32> to vector<128xf32>
    %swap3A_484 = vector.shape_cast %add3A_478 : vector<128xf32> to vector<1x1x128xf32>
    tpu.vector_store %arg2[%swap3A_479, %swap3A_480, %swap3A_481], %swap3A_484 {strides = array<i32>} : memref<1x8x128xf32, #tpu.memory_space<vmem>>, vector<1x1x128xf32>,
    return
  }
  func.func @transform_0(%arg0: i32) -> (i32, i32, i32) {
    %c0_i32 = arith.constant 0 : i32
    %c0_i32_0 = arith.constant 0 : i32
    %c0_i32_1 = arith.constant 0 : i32
    return %arg0, %c0_i32, %c0_i32_0 : i32, i32, i32
  }
  func.func @transform_1(%arg0: i32) -> (i32, i32, i32) {
    %c0_i32 = arith.constant 0 : i32
    %c0_i32_0 = arith.constant 0 : i32
    %c0_i32_1 = arith.constant 0 : i32
    return %arg0, %c0_i32, %c0_i32_0 : i32, i32, i32
  }
}

</mosaic_0001>

<sc_bundles>
// kernel: kernel.5.cloned.1.call-start
scs
__scs_entry_jumppad:
0x0: {  	(pc) =	sbr.rel $0x88, $3  }
0x1: {  	(tag) =	ssettag $0x0;
	lr =	simm.s32 $0x1  }
0x2: {  	[smem:$0x3FA0] =	sst lr;
	_ =	strace $0xD0000000  }
0x3: {  	_ = 	snop  }
0x4: {  	_ = 	snop  }
0x5: {  	_ = 	snop  }
0x6: {  	_ = 	snop  }
0x7: {  	_ = 	snop  }
__scs_overlays_trampoline_lowered:
0x8: {  	[smem:$0x3FAF] =	sst s0  }
0x9: {  	[smem:$0x3FB0] =	sst s1  }
0xa: {  	[smem:$0x3FB1] =	sst s2  }
0xb: {  	[smem:$0x3FB2] =	sst s3  }
0xc: {  	[smem:$0x3FB3] =	sst s4  }
0xd: {  	[smem:$0x3FB4] =	sst s5  }
0xe: {  	[smem:$0x3FB5] =	sst s6  }
0xf: {  	[smem:$0x3FB6] =	sst s7  }
0x10: {  	[smem:$0x3FB7] =	sst s8  }
0x11: {  	[smem:$0x3FB8] =	sst s9;
	s0 =	simm.s32 @!p0 $0x0  }
0x12: {  	s1 =	sld [smem:$0x3F9E];
	s0 =	simm.s32 @p0 $0x1  }
0x13: {  	[smem:$0x3FB9] =	sst s0;
	s0 =	simm.s32 @!p1 $0x0  }
0x14: {  	s2 =	sld [smem:$0x3F9D];
	s0 =	simm.s32 @p1 $0x1  }
0x15: {  	[smem:$0x3FBA] =	sst s0;
	s0 =	simm.s32 @!p2 $0x0  }
0x16: {  	s3 =	sld [smem:$0x3FDB];
	s0 =	simm.s32 @p2 $0x1  }
0x17: {  	s4 =	simm.s32 $0x1BF5;
	[smem:$0x3FBC] =	sst s0  }
0x18: {  	s0 =	sld [smem:$0x3F9F];
	_ =	swait.ge [sflag:s4], $0x0  }
0x19: {  	s7 =	sld [smem:$0x3FA0]  }
0x1a: {  	s8 =	sadd.s32 $0xFFFFE003, lr  }
0x1b: {  	s9 =	sadd.s32 $0xFFFFFEF7, lr;
	s5 =	simm.s32 $0xFFFFFFFF;
	p2 =	slt.u32 s8, $0xFFFFF086  }
0x1c: {  	p1 =	slt.u32 s9, $0xF7A;
	s5 =	simm.s32 @!p2 $0x0  }
0x1d: {  	s5 =	simm.s32 @p1 $0x1;
	p0 =	seq.s32 s7, s2  }
0x1e: {  	s7 =	smul.u32 @!p0 $0xF7A, s2;
	p2 =	seq.s32 @!p0 s5, $0x0  }
0x1f: {  	s9 =	smul.u32 $0xF7A, s1;
	s8 =	simm.s32 @!p0 $0x1BF5;
	p2 =	por !p2, p0  }
0x20: {  	[sflag:s8] =	ssyncset.s32 @!p0 $0xFFFFF086;
	s6 =	sadd.s32 @!p0 s3, s7;
	s7 =	simm.s32 @!p0 $0x108  }
0x21: {  	s3 =	sadd.s32 s3, s9;
	s6 =	sadd.s32 @!p0 $0x88, s6;
	s7 =	simm.s32 @p2 $0x1082  }
0x22: {  	[simem:s7], [sflag:s8] =	dma.local @!p0 [hbm:s6], $0xF7A  }
0x23: {  	s9 =	sor.u32 $0xD0000000, s2;
	s6 =	simm.s32 $0x108;
	_ =	swait.ge @!p0 [sflag:s8], $0x0  }
0x24: {  	s3 =	sadd.s32 $0x88, s3;
	s6 =	simm.s32 @!p1 $0x1082;
	[sflag:s4] =	ssyncset.s32 $0xFFFFF086  }
0x25: {  	[simem:s6], [sflag:s4] =	dma.local [hbm:s3], $0xF7A  }
0x26: {  	[smem:$0x3FA0] =	sst s1;
	(tag) =	ssettag s2;
	_ =	strace s9  }
0x27: {  	s1 =	sld [smem:$0x3FB0]  }
0x28: {  	s2 =	sld [smem:$0x3FB1]  }
0x29: {  	s4 =	sld [smem:$0x3FB3]  }
0x2a: {  	p0 =	seq.s32 s5, $0x0;
	s5 =	sld [smem:$0x3FB4]  }
0x2b: {  	s6 =	sld [smem:$0x3FB5]  }
0x2c: {  	s7 =	sld [smem:$0x3FB6]  }
0x2d: {  	s3 =	simm.s32 $0x108;
	s8 =	sld [smem:$0x3FB7]  }
0x2e: {  	s3 =	simm.s32 @!p0 $0x1082;
	s9 =	sld [smem:$0x3FB8]  }
0x2f: {  	lr =	sadd.s32 s0, s3;
	s0 =	sld [smem:$0x3FAF]  }
0x30: {  	s3 =	sld [smem:$0x3FB2]  }
0x31: {  	[smem:$0x3FBB] =	sst s10  }
0x32: {  	s10 =	sld [smem:$0x3FB9];
	_ =	sdelay $0x3  }
0x33: {  	p0 =	seq.s32 s10, $0x1;
	s10 =	sld [smem:$0x3FBB];
	_ =	sdelay $0x3  }
0x34: {  	[smem:$0x3FBB] =	sst s10  }
0x35: {  	s10 =	sld [smem:$0x3FBA];
	_ =	sdelay $0x3  }
0x36: {  	p1 =	seq.s32 s10, $0x1;
	s10 =	sld [smem:$0x3FBB];
	_ =	sdelay $0x3  }
0x37: {  	[smem:$0x3FBB] =	sst s10  }
0x38: {  	s10 =	sld [smem:$0x3FBC]  }
0x39: {  	_ = 	snop;
	(pc) =	sbr.ind lr, $3  }
0x3a: {  	_ = 	snop  }
0x3b: {  	_ = 	snop  }
0x3c: {  	p2 =	seq.s32 s10, $0x1;
	s10 =	sld [smem:$0x3FBB]  }
0x3d: {  	_ =	shalt  }
0x3e: {  	_ =	shalt  }
0x3f: {  	_ =	shalt  }
0x40: {  	_ =	shalt  }
0x41: {  	_ =	shalt  }
0x42: {  	_ =	shalt  }
0x43: {  	_ =	shalt  }
0x44: {  	_ =	shalt  }
0x45: {  	_ =	shalt  }
0x46: {  	_ =	shalt  }
0x47: {  	_ =	shalt  }
0x48: {  	_ =	shalt  }
0x49: {  	_ =	shalt  }
0x4a: {  	_ =	shalt  }
0x4b: {  	_ =	shalt  }
0x4c: {  	_ =	shalt  }
0x4d: {  	_ =	shalt  }
0x4e: {  	_ =	shalt  }
0x4f: {  	_ =	shalt  }
0x50: {  	_ =	shalt  }
0x51: {  	_ =	shalt  }
0x52: {  	_ =	shalt  }
0x53: {  	_ =	shalt  }
0x54: {  	_ =	shalt  }
0x55: {  	_ =	shalt  }
0x56: {  	_ =	shalt  }
0x57: {  	_ =	shalt  }
0x58: {  	_ =	shalt  }
0x59: {  	_ =	shalt  }
0x5a: {  	_ =	shalt  }
0x5b: {  	_ =	shalt  }
0x5c: {  	_ =	shalt  }
0x5d: {  	_ =	shalt  }
0x5e: {  	_ =	shalt  }
0x5f: {  	_ =	shalt  }
0x60: {  	_ =	shalt  }
0x61: {  	_ =	shalt  }
0x62: {  	_ =	shalt  }
0x63: {  	_ =	shalt  }
0x64: {  	_ =	shalt  }
0x65: {  	_ =	shalt  }
0x66: {  	_ =	shalt  }
0x67: {  	_ =	shalt  }
0x68: {  	_ =	shalt  }
0x69: {  	_ =	shalt  }
0x6a: {  	_ =	shalt  }
0x6b: {  	_ =	shalt  }
0x6c: {  	_ =	shalt  }
0x6d: {  	_ =	shalt  }
0x6e: {  	_ =	shalt  }
0x6f: {  	_ =	shalt  }
0x70: {  	_ =	shalt  }
0x71: {  	_ =	shalt  }
0x72: {  	_ =	shalt  }
0x73: {  	_ =	shalt  }
0x74: {  	_ =	shalt  }
0x75: {  	_ =	shalt  }
0x76: {  	_ =	shalt  }
0x77: {  	_ =	shalt  }
0x78: {  	_ =	shalt  }
0x79: {  	_ =	shalt  }
0x7a: {  	_ =	shalt  }
0x7b: {  	_ =	shalt  }
0x7c: {  	_ =	shalt  }
0x7d: {  	_ =	shalt  }
0x7e: {  	_ =	shalt  }
0x7f: {  	_ =	shalt  }
0x80: {  	_ =	shalt  }
0x81: {  	_ =	shalt  }
0x82: {  	_ =	shalt  }
0x83: {  	_ =	shalt  }
0x84: {  	_ =	shalt  }
0x85: {  	_ =	shalt  }
0x86: {  	_ =	shalt  }
0x87: {  	_ =	shalt  }
.Lfunc_end0:
.L_simem_size_0:
called_computation_lowered:
.L_overlay_start_0:
0x88: {  	s2 =	sld [smem:$0x3FD9]  }
0x89: {  	s3 =	sld [smem:$0x3FFE];
	_ =	sdelay $0x1  }
0x8a: {  	s1 =	srdreg.scid  }
0x8b: {  	s0 =	sand.u32 $0x1, s1  }
0x8c: {  	s17 =	sshll.u32 s0, $0xA;
	s2 =	sadd.s32 s3, s2  }
0x8d: {  	s2 =	sadd.s32 s2, s17  }
0x8e: {  	[smem:$0x3FC7] =	sst s2  }
0x8f: {  	_ = 	snop  }
0x90: {  	s2 =	sld [smem:$0x3FD0];
	(tm) =	ssettm $0x1  }
0x91: {  	s18 =	sld [smem:$0x3FFB];
	_ =	sdelay $0x3  }
0x92: {  	_ =	strace s18  }
0x93: {  	s3 =	sld [smem:$0x3FFC];
	_ =	sdelay $0x3  }
0x94: {  	_ =	strace s3  }
0x95: {  	s3 =	sld [smem:$0x3FFD];
	_ =	sdelay $0x3  }
0x96: {  	_ =	strace s3  }
0x97: {  	_ =	strace $0x8FFFFFFF  }
0x98: {  	s19 =	sld [smem:$0x3FDB];
	_ =	sdelay $0x1  }
0x99: {  	s4 =	simm.s32 $_scs_section_size  }
0x9a: {  	s5 =	simm.s32 $_size__tile_overlayer_lowered;
	s6 =	simm.s32 $_tile_overlayer_lowered  }
0x9b: {  	s22 =	simm.s32 $0x1BFF;
	s21 =	sshll.u32 s6, $0x1;
	s3 =	sadd.s32 s4, s19  }
0x9c: {  	s7 =	simm.s32 $0x0;
	s20 =	sshll.u32 s5, $0x1;
	s5 =	sadd.s32 s21, s3  }
0x9d: {  	[timem:s7], [sflag:s22] =	dma.local [hbm:s5], s20  }
0x9e: {  	_ =	swait.ge [sflag:s22], s20  }
0x9f: {  	s4 =	ssub.s32 $0x0, s20;
	[sflag:s22] =	ssyncset.done $0x0  }
0xa0: {  	[sflag:s22] =	ssyncadd.s32 s4;
	_ =	sdelay $0x1  }
0xa1: {  	s23 =	simm.s32 $0x1B8B  }
0xa2: {  	_ =	swait.ge [sflag:s23], $0x1  }
0xa3: {  	[sflag:s23] =	ssyncset.done $0x0  }
0xa4: {  	s25 =	simm.s32 $0x1B8E;
	s24 =	sld [smem:$0x3FFE];
	[sflag:s23] =	ssyncadd.s32 $0xFFFFFFFF  }
0xa5: {  	s26 =	simm.s32 $execute0_lowered;
	[smem:$0x3FD2] =	sst s25  }
0xa6: {  	s5 =	sshll.u32 s26, $0x1;
	_ =	strace $0x80000046;
	[dreg:$0x1] =	wrdreg $0xFFFFFFFF  }
0xa7: {  	s28 =	simm.s32 $_size_execute0_lowered;
	s3 =	sadd.s32 s3, s5;
	[dreg:$0x0] =	wrdreg $0x0  }
0xa8: {  	s5 =	sshll.u32 s28, $0x1;
	[dreg:$0x2] =	wrdreg s3  }
0xa9: {  	[dreg:$0x3] =	wrdreg s5  }
0xaa: {  	[dreg:$0x4] =	wrdreg $0xC0  }
0xab: {  	_ =	task [dreg:s7], $0x5FFFF  }
0xac: {  	[dreg:$0x1] =	wrdreg $0xFFFFFFFF  }
0xad: {  	[dreg:$0x0] =	wrdreg $0x60  }
0xae: {  	[dreg:$0x2] =	wrdreg s24  }
0xaf: {  	[dreg:$0x3] =	wrdreg s2  }
0xb0: {  	[dreg:$0x4] =	wrdreg $0x9  }
0xb1: {  	_ =	task.clear_ibuf [dreg:s7], $0x5FFFF;
	_ =	strace $0x90000046  }
0xb2: {  	s29 =	simm.s32 $0x9;
	_ =	strace $0x80000048  }
0xb3: {  	_ =	swait.ge [sflag:s29], $0x1  }
0xb4: {  	[sflag:s29] =	ssyncadd.s32 $0xFFFFFFFF  }
0xb5: {  	_ =	strace $0x90000048  }
0xb6: {  	_ =	sfence  }
0xb7: {  	s30 =	sld [smem:$0x0];
	_ =	sdelay $0x2  }
0xb8: {  	s31 =	sshll.u32 s1, $0xD;
	s1 =	sshrl.u32 s1, $0x2  }
0xb9: {  	s3 =	sand.u32 $0x4000, s31;
	s1 =	sadd.s32 s1, s30  }
0xba: {  	s0 =	sor.u32 s3, s0;
	s1 =	sshll.u32 s1, $0x11  }
0xbb: {  	s0 =	sor.u32 s1, s0  }
0xbc: {  	s0 =	sadd.s32 $0x8F2B, s0  }
0xbd: {  	[sflag:s0] =	ssyncadd.remote.s32 $0x1  }
0xbe: {  	_ =	sfence.sel $0xFFFF  }
0xbf: {  	[dreg:$0x0] =	wrdreg $0xFFFFFFFF;
	(pc) =	sbr.abs _section_cstart, $3  }
0xc0: {  	[dreg:$0x1] =	wrdreg $0xFFFFFFFF  }
0xc1: {  	_ =	task.clear_ibuf [dreg:s7], $0x2FFFF;
	_ =	strace $0x9FFFFFFF  }
0xc2: {  	(tm) =	ssettm $0x7FFFFFFF  }
0xc3: {  	_ =	shalt  }
tec
execute0_lowered:
.L_overlay_start_1:
0x0: {  	(tag) =	ssettag $0x1  }
0x1: {  	s1 =	stileid.u32  }
0x2: {  	p0 =	sgt.u32 s1, $0x1  }
.Ltmp0:
0x3: {  	_ = 	snop;
	(pc) =	sbr.rel @p0 .LBB2_5-.Ltmp0, $4  }
0x4: {  	s4 =	rddreg [dreg:$0x0]  }
0x5: {  	s3 =	rddreg [dreg:$0x1];
	s2 =	simm.s32 $0x0  }
0x6: {  	[smem:$0x7FF] =	sst s2  }
0x7: {  	s0 =	rddreg [dreg:$0x2];
	_ =	strace $0x80000047  }
0x8: {  	s5 =	srdreg.scid  }
0x9: {  	s6 =	sshll.u32 s1, $0x1;
	s5 =	sand.u32 $0x1, s5  }
0xa: {  	s6 =	sor.u32 s5, s6;
	s5 =	ssub.s32 $0x2, s5  }
0xb: {  	s4 =	sadd.s32 $0x600, s4;
	s8 =	sshrl.u32 s5, $0x1  }
0xc: {  	s7 =	smul.u32 $0x1200, s6;
	s6 =	sshll.u32 s6, $0x7;
	s5 =	ssub.s32 s5, s8  }
0xd: {  	s4 =	sadd.s32 s4, s6;
	s6 =	simm.s32 $0x1;
	s8 =	simm.s32 $0x0  }
0xe: {  	s3 =	sadd.s32 s3, s7;
	s5 =	smax.u32 s5, $0x1;
	s7 =	simm.s32 $0x400  }
.LBB2_2:
0xf: {  	s9 =	simm.s32 $0x0  }
0x10: {  	[tilespmem:s9], [sflag:$0x1] =	stream.linear.gather [hbm4b:s4+s9], $0x400, $0x38;
	[tilespmem:$0x9400] =	vst v63  }
0x11: {  	_ =	swait.ge [sflag:s6], $0x400  }
0x12: {  	[sflag:s6] =	ssyncset.done $0x0  }
0x13: {  	s10 =	simm.s32 $0x400;
	s11 =	simm.s32 $0x0;
	[sflag:s6] =	ssyncadd.s32 $0xFFFFFC00  }
.LBB2_3:
0x14: {  	v0 =	vld [tilespmem:s9+$0x0];
	_ =	sdelay $0x4  }
0x15: {  	v0 =	vtrunc.f32 v0  }
0x16: {  	v0 =	vcvt.f32.s32 v0;
	_ =	sdelay $0x1  }
0x17: {  	v1 =	vshrl.u32 v0, $0x6;
	v0 =	vand.u32 $0x3F, v0  }
0x18: {  	v1 =	vcvt.s32.f32 v1;
	v0 =	vcvt.s32.f32 v0;
	_ =	sdelay $0x1  }
0x19: {  	v1 =	vmul.f32 $1.250000000e-01, v1;
	v0 =	vmul.f32 $1.250000000e-01, v0;
	_ =	sdelay $0x1  }
0x1a: {  	v2 =	vadd.f32 $-2.262741660e+01, v1;
	v3 =	vadd.f32 $-1.131370830e+01, v0  }
0x1b: {  	v4 =	vadd.f32 $2.262741660e+01, v1;
	v5 =	vadd.f32 $1.131370830e+01, v0  }
0x1c: {  	v6 =	vadd.f32 $-4.525483320e+01, v1;
	v7 =	vadd.f32 $-2.262741660e+01, v0  }
0x1d: {  	v8 =	vadd.f32 $4.525483320e+01, v1;
	v9 =	vadd.f32 $2.262741660e+01, v0  }
0x1e: {  	v10 =	vadd.f32 $-9.050966640e+01, v1;
	v11 =	vadd.f32 $-4.525483320e+01, v0  }
0x1f: {  	v12 =	vadd.f32 $9.050966640e+01, v1;
	v36 =	vadd.f32 $-1.600000000e+01, v1  }
0x20: {  	v13 =	vadd.f32 $-1.600000000e+01, v0;
	v41 =	vadd.f32 $1.600000000e+01, v1  }
0x21: {  	v46 =	vadd.f32 $-3.200000000e+01, v1;
	v49 =	vadd.f32 $3.200000000e+01, v1  }
0x22: {  	v54 =	vadd.f32 $-6.400000000e+01, v1;
	v59 =	vadd.f32 $6.400000000e+01, v1  }
0x23: {  	v61 =	vadd.f32 $-1.131370830e+01, v1;
	v2 =	vmul.f32 $1.953125000e-03, v2;
	v3 =	vmul.f32 $1.953125000e-03, v3  }
0x24: {  	v1 =	vadd.f32 $1.131370830e+01, v1;
	v4 =	vmul.f32 $1.953125000e-03, v4;
	v5 =	vmul.f32 $1.953125000e-03, v5  }
0x25: {  	v6 =	vmul.f32 $1.953125000e-03, v6;
	v7 =	vmul.f32 $1.953125000e-03, v7;
	v2 =	vmax.f32 v2, $0.0e+00  }
0x26: {  	v8 =	vmul.f32 $1.953125000e-03, v8;
	v3 =	vmax.f32 v3, $0.0e+00;
	v2 =	vmin.f32 v2, $1.000000000e+00  }
0x27: {  	s12 =	sand.u32 $0x3F0, s11;
	v10 =	vmul.f32 $1.953125000e-03, v10;
	v4 =	vmax.f32 v4, $0.0e+00;
	v3 =	vmin.f32 v3, $1.000000000e+00;
	[tilespmem:s10+$0x0] =	vst v2  }
0x28: {  	v11 =	vmul.f32 $1.953125000e-03, v11;
	v5 =	vmax.f32 v5, $0.0e+00;
	v4 =	vmin.f32 v4, $1.000000000e+00;
	[tilespmem:s12+$0x800] =	vst v3  }
0x29: {  	v12 =	vmul.f32 $1.953125000e-03, v12;
	v6 =	vmax.f32 v6, $0.0e+00;
	v5 =	vmin.f32 v5, $1.000000000e+00;
	[tilespmem:s12+$0xC00] =	vst v4  }
0x2a: {  	v45 =	vmul.f32 $1.953125000e-03, v41;
	v35 =	vmax.f32 v10, $0.0e+00;
	v6 =	vmin.f32 v6, $1.000000000e+00;
	[tilespmem:s12+$0x1000] =	vst v5  }
0x2b: {  	v11 =	vmax.f32 v11, $0.0e+00;
	v39 =	vmax.f32 v12, $0.0e+00;
	v37 =	vmin.f32 v35, $1.000000000e+00;
	[tilespmem:s12+$0x1400] =	vst v6  }
0x2c: {  	v7 =	vmax.f32 v7, $0.0e+00;
	v38 =	vmin.f32 v11, $1.000000000e+00;
	v11 =	vmin.f32 v39, $1.000000000e+00;
	[tilespmem:s12+$0x2400] =	vst v37  }
0x2d: {  	v9 =	vmul.f32 $1.953125000e-03, v9;
	v12 =	vmax.f32 v45, $0.0e+00;
	v7 =	vmin.f32 v7, $1.000000000e+00;
	[tilespmem:s12+$0x2C00] =	vst v11  }
0x2e: {  	v40 =	vmul.f32 $1.953125000e-03, v13;
	v8 =	vmax.f32 v8, $0.0e+00;
	v12 =	vmin.f32 v12, $1.000000000e+00;
	[tilespmem:s12+$0x1800] =	vst v7  }
0x2f: {  	v13 =	vmul.f32 $1.953125000e-03, v59;
	v9 =	vmax.f32 v9, $0.0e+00;
	v8 =	vmin.f32 v8, $1.000000000e+00;
	[tilespmem:s12+$0x3C00] =	vst v12  }
0x30: {  	v34 =	vmin.f32 v9, $1.000000000e+00;
	[tilespmem:s12+$0x1C00] =	vst v8  }
0x31: {  	v1 =	vmul.f32 $1.953125000e-03, v1;
	v13 =	vmax.f32 v13, $0.0e+00;
	[tilespmem:s12+$0x2000] =	vst v34  }
0x32: {  	v13 =	vmin.f32 v13, $1.000000000e+00;
	[tilespmem:s12+$0x2800] =	vst v38  }
0x33: {  	v43 =	vadd.f32 $1.600000000e+01, v0;
	v48 =	vadd.f32 $-3.200000000e+01, v0;
	v1 =	vmax.f32 v1, $0.0e+00;
	[tilespmem:s12+$0x5C00] =	vst v13  }
0x34: {  	v51 =	vadd.f32 $3.200000000e+01, v0;
	v55 =	vadd.f32 $4.525483320e+01, v0;
	v1 =	vmin.f32 v1, $1.000000000e+00;
	[tilespmem:s12+$0x6800] =	vst v7  }
0x35: {  	v57 =	vadd.f32 $-6.400000000e+01, v0;
	v60 =	vadd.f32 $6.400000000e+01, v0;
	[tilespmem:s12+$0x6C00] =	vst v1  }
0x36: {  	v63 =	vadd.f32 $-9.050966640e+01, v0;
	v0 =	vadd.f32 $9.050966640e+01, v0;
	[tilespmem:s12+$0x7000] =	vst v34  }
0x37: {  	[tilespmem:s12+$0x7400] =	vst v2  }
0x38: {  	v0 =	vmul.f32 $1.953125000e-03, v0;
	[tilespmem:s12+$0x7800] =	vst v38  }
0x39: {  	v10 =	vmul.f32 $1.953125000e-03, v36;
	[tilespmem:s12+$0x7C00] =	vst v4  }
0x3a: {  	v0 =	vmax.f32 v0, $0.0e+00;
	[tilespmem:s12+$0x8400] =	vst v6  }
0x3b: {  	v53 =	vmul.f32 $1.953125000e-03, v51;
	v0 =	vmin.f32 v0, $1.000000000e+00;
	v42 =	vmax.f32 v10, $0.0e+00;
	[tilespmem:s12+$0x8C00] =	vst v8  }
0x3c: {  	v44 =	vmax.f32 v40, $0.0e+00;
	v10 =	vmul.f32 $1.953125000e-03, v43;
	v5 =	vmin.f32 v42, $1.000000000e+00;
	[tilespmem:s12+$0x9000] =	vst v0  }
0x3d: {  	v47 =	vmul.f32 $1.953125000e-03, v46;
	v11 =	vmin.f32 v44, $1.000000000e+00;
	v12 =	vmax.f32 v53, $0.0e+00;
	[tilespmem:s12+$0x3400] =	vst v5  }
0x3e: {  	v50 =	vmul.f32 $1.953125000e-03, v48;
	v10 =	vmax.f32 v10, $0.0e+00;
	[tilespmem:s12+$0x3800] =	vst v11;
	v12 =	vmin.f32 v12, $1.000000000e+00  }
0x3f: {  	v1 =	vmul.f32 $1.953125000e-03, v63;
	v5 =	vmax.f32 v47, $0.0e+00;
	v10 =	vmin.f32 v10, $1.000000000e+00;
	[tilespmem:s12+$0x5000] =	vst v12  }
0x40: {  	v52 =	vmax.f32 v50, $0.0e+00;
	v11 =	vmul.f32 $1.953125000e-03, v49;
	v5 =	vmin.f32 v5, $1.000000000e+00;
	[tilespmem:s12+$0x4000] =	vst v10  }
0x41: {  	v56 =	vmul.f32 $1.953125000e-03, v54;
	v1 =	vmax.f32 v1, $0.0e+00;
	[tilespmem:s12+$0x4400] =	vst v5;
	v10 =	vmin.f32 v52, $1.000000000e+00  }
0x42: {  	v12 =	vmul.f32 $1.953125000e-03, v60;
	v11 =	vmax.f32 v11, $0.0e+00;
	v1 =	vmin.f32 v1, $1.000000000e+00;
	[tilespmem:s12+$0x4800] =	vst v10  }
0x43: {  	v5 =	vmul.f32 $1.953125000e-03, v55;
	v11 =	vmin.f32 v11, $1.000000000e+00;
	v10 =	vmax.f32 v56, $0.0e+00;
	[tilespmem:s12+$0x8800] =	vst v1  }
0x44: {  	v58 =	vmul.f32 $1.953125000e-03, v57;
	v12 =	vmax.f32 v12, $0.0e+00;
	[tilespmem:s12+$0x4C00] =	vst v11;
	v10 =	vmin.f32 v10, $1.000000000e+00  }
0x45: {  	p0 =	sne.s32 s11, $0x3F0;
	v5 =	vmax.f32 v5, $0.0e+00;
	v62 =	vmin.f32 v12, $1.000000000e+00;
	[tilespmem:s12+$0x5400] =	vst v10  }
.Ltmp1:
0x46: {  	v11 =	vmax.f32 v58, $0.0e+00;
	v5 =	vmin.f32 v5, $1.000000000e+00;
	v10 =	vmul.f32 $1.953125000e-03, v61;
	[tilespmem:s12+$0x6000] =	vst v62;
	(pc) =	sbr.rel @p0 .LBB2_3-.Ltmp1, $4  }
0x47: {  	v11 =	vmin.f32 v11, $1.000000000e+00;
	[tilespmem:s12+$0x3000] =	vst v5  }
0x48: {  	[tilespmem:s12+$0x5800] =	vst v11;
	v10 =	vmax.f32 v10, $0.0e+00  }
0x49: {  	[tilespmem:s12+$0x8000] =	vst v5;
	v10 =	vmin.f32 v10, $1.000000000e+00  }
0x4a: {  	s9 =	sadd.s32 $0x10, s9;
	s11 =	sadd.s32 $0x10, s11;
	s10 =	sadd.s32 $0x10, s10;
	[tilespmem:s12+$0x6400] =	vst v10  }
0x4b: {  	s8 =	sadd.s32 $0x1, s8  }
0x4c: {  	p0 =	sne.s32 s8, s5  }
.Ltmp2:
0x4d: {  	_ = 	snop;
	(pc) =	sbr.rel @p0 .LBB2_2-.Ltmp2, $4  }
0x4e: {  	[hbm4b:s3+s2] =	stream.linear.scatter [tilespmem:s7], [sflag:$0x1], $0x9000, $0x38;
	[tilespmem:$0x9400] =	vst v63  }
0x4f: {  	_ =	swait.ge [sflag:s6], $0x9000  }
0x50: {  	[sflag:s6] =	ssyncset.done $0x0  }
0x51: {  	[sflag:s6] =	ssyncadd.s32 $0xFFFF7000  }
.LBB2_5:
0x52: {  	_ =	sfence.sel $0x180000  }
0x53: {  	[bflag:$0x0] =	sbarrier.arrive $0xFFFF  }
0x54: {  	p0 =	sne.s32 s1, $0x0;
	_ =	strace $0x90000047  }
0x55: {  	s0 =	sadd.s32 @!p0 $0x100000, s0;
	[bflag:$0x2] =	sbarrier.arrive $0xFFFF  }
0x56: {  	[sflag:s0] =	ssyncadd.tile.s32 @!p0 $0x1;
	_ =	shalt  }
.Lfunc_end2:
_tile_overlayer_lowered:
.L_overlay_start_2:
0x57: {  	(tag) =	ssettag $0x2  }
0x58: {  	s0 =	rddreg [dreg:$0x0];
	s2 =	stileid.u32  }
0x59: {  	s1 =	rddreg [dreg:$0x1];
	p0 =	sne.s32 s2, $0x0  }
0x5a: {  	s3 =	rddreg [dreg:$0x2];
	[bflag:$0x3] =	sbarrier.arrive $0xFFFF;
	s2 =	simm.s32 @!p0 $0x1C01  }
0x5b: {  	[timem:s3], [sflag:s2] =	dma.local @!p0 [hbm:s0], s1  }
0x5c: {  	s0 =	simm.s32 @!p0 $0x1  }
0x5d: {  	_ =	swait.ge @!p0 [sflag:s0], s1  }
0x5e: {  	s1 =	ssub.s32 @!p0 $0x0, s1;
	[sflag:s0] =	ssyncset.done @!p0 $0x0  }
0x5f: {  	[sflag:s0] =	ssyncadd.s32 @!p0 s1  }
0x60: {  	[bflag:$0x3] =	sbarrier.arrive $0xFFFF  }
0x61: {  	_ =	shalt  }

</sc_bundles>
